<compile_context>
chip_gen: v7x
topology: tpu7x:2x2x1
jax: 0.10.2.dev20260603
libtpu: 0.0.44.dev20260713+nightly
codegen_flags: <defaults>
</compile_context>

<pallas_src>
import functools

import jax
import jax.numpy as jnp
from jax import lax
from jax.experimental import pallas as pl
from jax.experimental.pallas import tpu as pltpu
from jax.experimental.pallas import tpu_sc as plsc

B = 128
N = 32768
K = 64
L = 16
NCHUNK = N // L
GROUP = 16
NGROUP = NCHUNK // GROUP
WARM_CHUNKS = 2048
NWORKERS = 32
ROWS_PER_W = B // NWORKERS
TOL = 1e-10


def _hit(v, thr):
    return plsc.all_reduce_population_count(v > thr)[0] > 0


def _sort_desc(v):
    k, _ = plsc.sort_key_val(v, v, descending=True)
    return k


def _sort_asc(v):
    k, _ = plsc.sort_key_val(v, v, descending=False)
    return k


def _rev(v):
    return lax.rev(v, (0,))


def _fold64(b0, b1, b2, b3, c0, c1, c2, c3):
    s0, s1 = _sort_asc(c0), _sort_asc(c1)
    s2, s3 = _sort_asc(c2), _sort_asc(c3)
    h0 = _sort_desc(jnp.maximum(s0, _rev(s1)))
    l0 = _sort_desc(jnp.minimum(s0, _rev(s1)))
    h1 = _sort_desc(jnp.maximum(s2, _rev(s3)))
    l1 = _sort_desc(jnp.minimum(s2, _rev(s3)))
    rb0, rb1 = _rev(l1), _rev(h1)
    t0, t1 = jnp.maximum(h0, rb0), jnp.maximum(l0, rb1)
    u0, u1 = jnp.minimum(h0, rb0), jnp.minimum(l0, rb1)
    g0 = _sort_desc(jnp.maximum(t0, t1))
    g1 = _sort_desc(jnp.minimum(t0, t1))
    g2 = _sort_desc(jnp.maximum(u0, u1))
    g3 = _sort_desc(jnp.minimum(u0, u1))
    m0 = jnp.maximum(b0, _rev(g3))
    m1 = jnp.maximum(b1, _rev(g2))
    m2 = jnp.maximum(b2, _rev(g1))
    m3 = jnp.maximum(b3, _rev(g0))
    a0, a2 = jnp.maximum(m0, m2), jnp.minimum(m0, m2)
    a1, a3 = jnp.maximum(m1, m3), jnp.minimum(m1, m3)
    n0 = _sort_desc(jnp.maximum(a0, a1))
    n1 = _sort_desc(jnp.minimum(a0, a1))
    n2 = _sort_desc(jnp.maximum(a2, a3))
    n3 = _sort_desc(jnp.minimum(a2, a3))
    return n0, n1, n2, n3


def _merge(c, b0, b1, b2, b3):
    ca = _sort_asc(c)
    cmax = ca[L - 1]
    return _merge_sorted(ca, cmax, b0, b1, b2, b3)


def _merge_sorted(ca, cmax, b0, b1, b2, b3):
    def b3_only():
        n3 = _sort_desc(jnp.maximum(b3, ca))
        return b0, b1, b2, n3, n3[L - 1]

    def b23():
        t = jnp.maximum(b3, ca)
        n2 = _sort_desc(jnp.maximum(b2, t))
        n3 = _sort_desc(jnp.minimum(b2, t))
        return b0, b1, n2, n3, n3[L - 1]

    def full():
        t = jnp.maximum(b3, ca)
        a1 = jnp.maximum(b1, t)
        a3 = jnp.minimum(b1, t)
        n0 = _sort_desc(jnp.maximum(b0, a1))
        n1 = _sort_desc(jnp.minimum(b0, a1))
        n2 = _sort_desc(jnp.maximum(b2, a3))
        n3 = _sort_desc(jnp.minimum(b2, a3))
        return n0, n1, n2, n3, n3[L - 1]

    return lax.cond(
        cmax < b2[L - 1], b3_only,
        lambda: lax.cond(cmax < b1[L - 1], b23, full))


def _sc_body(x_hbm, w_hbm, out_hbm, row_a, row_b, w_v, res_v, sem0, sem1):
    wid = lax.axis_index("s") * 2 + lax.axis_index("c")
    base = wid * ROWS_PER_W
    lane = lax.iota(jnp.int32, L)
    res = jnp.zeros((L,), jnp.float32)

    bufs = (row_a, row_b)
    sems = (sem0, sem1)
    pltpu.sync_copy(w_hbm.at[pl.ds(base, ROWS_PER_W)], w_v)
    copies = [None, None]
    copies[0] = pltpu.make_async_copy(x_hbm.at[base], row_a, sem0)
    copies[0].start()

    for j in range(ROWS_PER_W):
        cur = j % 2
        copies[cur].wait()
        if j + 1 < ROWS_PER_W:
            nxt = (j + 1) % 2
            copies[nxt] = pltpu.make_async_copy(
                x_hbm.at[base + j + 1], bufs[nxt], sems[nxt])
            copies[nxt].start()
        row_v = bufs[cur]

        neg = jnp.float32(-jnp.inf)

        def warm_body(i, bs):
            off = i * (4 * L)
            return _fold64(*bs,
                           row_v[pl.ds(off, L)],
                           row_v[pl.ds(off + L, L)],
                           row_v[pl.ds(off + 2 * L, L)],
                           row_v[pl.ds(off + 3 * L, L)])

        w0, w1, w2, w3 = lax.fori_loop(
            0, WARM_CHUNKS // 4, warm_body,
            (jnp.full((L,), neg), jnp.full((L,), neg),
             jnp.full((L,), neg), jnp.full((L,), neg)))
        init = (w0, w1, w2, w3, w3[L - 1])

        def group_body(g, carry):
            b0, b1, b2, b3, thr = carry
            off = g * (GROUP * L)
            cs = [row_v[pl.ds(off + i * L, L)] for i in range(GROUP)]
            pairs = [jnp.maximum(cs[i], cs[i + 1])
                     for i in range(0, GROUP, 2)]
            quads = [jnp.maximum(pairs[i], pairs[i + 1])
                     for i in range(0, len(pairs), 2)]
            gm = quads
            while len(gm) > 1:
                gm = [jnp.maximum(gm[i], gm[i + 1])
                      for i in range(0, len(gm), 2)]

            def do(carry):
                for qi, q in enumerate(quads):
                    def do_quad(carry, qi=qi):
                        cas = [_sort_asc(cs[4 * qi + i]) for i in range(4)]
                        for ca in cas:
                            cmax = ca[L - 1]

                            def m(cr, ca=ca, cmax=cmax):
                                return _merge_sorted(ca, cmax, cr[0], cr[1],
                                                     cr[2], cr[3])

                            carry = lax.cond(cmax > carry[4], m,
                                             lambda cr: cr, carry)
                        return carry

                    carry = lax.cond(_hit(q, carry[4]), do_quad,
                                     lambda cr: cr, carry)
                return carry

            return lax.cond(_hit(gm[0], thr), do, lambda cr: cr, carry)

        b0, b1, b2, b3, _ = lax.fori_loop(WARM_CHUNKS // GROUP, NGROUP,
                                          group_body, init)

        acc = b0 * w_v[j, pl.ds(0, L)]
        acc = acc + b1 * w_v[j, pl.ds(L, L)]
        acc = acc + b2 * w_v[j, pl.ds(2 * L, L)]
        acc = acc + b3 * w_v[j, pl.ds(3 * L, L)]
        s = jnp.sum(acc)
        res = jnp.where(lane == j, s, res)

    res_v[...] = res
    pltpu.sync_copy(res_v, out_hbm.at[wid])


_topk_dot_sc = functools.partial(
    pl.kernel,
    out_type=jax.ShapeDtypeStruct((NWORKERS, L), jnp.float32),
    mesh=plsc.VectorSubcoreMesh(core_axis_name="c", subcore_axis_name="s"),
    scratch_types=[
        pltpu.VMEM((N,), jnp.float32),
        pltpu.VMEM((N,), jnp.float32),
        pltpu.VMEM((ROWS_PER_W, K), jnp.float32),
        pltpu.VMEM((L,), jnp.float32),
        pltpu.SemaphoreType.DMA,
        pltpu.SemaphoreType.DMA,
    ],
    compiler_params=pltpu.CompilerParams(needs_layout_passes=False),
)(_sc_body)


def _logmean_body(x_ref, o_ref):
    x = x_ref[...]
    lane_id = lax.broadcasted_iota(jnp.int32, (NWORKERS, L), 1)
    v = jnp.where(lane_id < ROWS_PER_W, jnp.log(x + TOL), 0.0)
    o_ref[...] = (jnp.sum(v) * (1.0 / B))[None, None]


def kernel(concat_output, sample_loc_prob):
    staged = _topk_dot_sc(concat_output, sample_loc_prob)
    out = pl.pallas_call(
        _logmean_body,
        out_shape=jax.ShapeDtypeStruct((1, 1), jnp.float32),
    )(staged)
    return out[0, 0]

# --- scband reference (transcript-rebuilt; emitter-appended) ---
"""Pipeline reference for scband-auto-encoder-33234456936688 (READ-ONLY COPY).

The authoritative reference and input builder live on the scoring server;
editing this copy changes nothing except your own understanding.
"""

import jax, jax.numpy as jnp
import numpy as np

SPARSITY_FACTOR = 64
TOLERANCE = 1e-10


def setup_inputs(seed: int = 0) -> dict:
    key = jax.random.key(seed)
    k1, k2 = jax.random.split(key)
    # concat_output: mixture coefficient probabilities (positive), shape [B, N]
    concat_output = jax.random.uniform(k1, (128, 32768), dtype=jnp.float32) + 1e-6
    # sample_loc_prob: oracle-provided sample probabilities under each selected intervention, shape [B, k]
    sample_loc_prob = jax.random.uniform(k2, (128, 64), dtype=jnp.float32)
    return {"concat_output": concat_output, "sample_loc_prob": sample_loc_prob}


def reference(concat_output, sample_loc_prob):
    # Decoder.call with sample_strategy == 'top-k':
    # select top-|sparsity| most probable interventions
    interv_loc_prob, indices = jax.lax.top_k(concat_output, SPARSITY_FACTOR)
    # _calculate_sample_likliehood: sum over selected interventions,
    # then log with tolerance, then mean over samples
    sample_prob = jnp.sum(interv_loc_prob * sample_loc_prob, axis=1)
    sample_logprob = jnp.log(sample_prob + TOLERANCE)
    all_sample_logprob = jnp.mean(sample_logprob)
    return all_sample_logprob

if __name__ == "__main__":
    import jax
    _d = setup_inputs()
    print(jax.jit(kernel)(*tuple(_d.values())))

</pallas_src>

<mosaic_0001>
#map = affine_map<(d0, d1) -> (0, 0)>
module attributes {stable_mosaic.version = 14 : i64} {
  func.func @_sc_body(%arg0: i32, %arg1: i32, %arg2: memref<128x32768xf32, #tpu.memory_space<hbm>>, %arg3: memref<128x64xf32, #tpu.memory_space<hbm>>, %arg4: memref<32x16xf32, #tpu.memory_space<hbm>>, %arg5: memref<32768xf32, #tpu.memory_space<vmem>>, %arg6: memref<32768xf32, #tpu.memory_space<vmem>>, %arg7: memref<4x64xf32, #tpu.memory_space<vmem>>, %arg8: memref<16xf32, #tpu.memory_space<vmem>>, %arg9: memref<!tpu.dma_semaphore, #tpu.memory_space<semaphore_mem>>, %arg10: memref<!tpu.dma_semaphore, #tpu.memory_space<semaphore_mem>>) attributes {dimension_semantics = [#tpu.dimension_semantics<core_parallel>, #tpu.dimension_semantics<subcore_parallel>], iteration_bounds = array<i64: 2, 16>, scalar_prefetch = 0 : i64, scratch_operands = 6 : i64, tpu.core_type = #tpu.core_type<sc_vector_subcore>, window_params = [{transform_indices = #map}, {transform_indices = #map}, {transform_indices = #map}]} {
    %mul3A = arith.constant 2 : i32
    %mul3A_0 = arith.muli %arg1, %mul3A : i32
    %add3A = arith.addi %mul3A_0, %arg0 : i32
    %mul3A_1 = arith.constant 4 : i32
    %mul3A_2 = arith.muli %add3A, %mul3A_1 : i32
    %iota3A = tpu.iota {dimensions = array<i32: 0>} : vector<16xi32>
    %broadcast_in_dim3A = arith.constant 0.000000e+00 : f32
    %broadcast_in_dim3A_3 = vector.broadcast %broadcast_in_dim3A : f32 to vector<16xf32>
    "tpu.region"() ({
      %run_scoped3A = tpu.sem_alloc : memref<!tpu.dma_semaphore, #tpu.memory_space<semaphore_mem>>
      %dma_start3A_264 = arith.constant 0 : i32
      %dma_start3A_265 = tpu.memref_slice %arg3[%mul3A_2, %dma_start3A_264] : memref<128x64xf32, #tpu.memory_space<hbm>> -> memref<4x64xf32, #tpu.memory_space<hbm>>
      %dma_start3A_266 = arith.constant 0 : i32
      %dma_start3A_267 = tpu.memref_slice %arg3[%mul3A_2, %dma_start3A_266] : memref<128x64xf32, #tpu.memory_space<hbm>> -> memref<4x64xf32, #tpu.memory_space<hbm>>
      tpu.enqueue_dma source(%dma_start3A_267 : memref<4x64xf32, #tpu.memory_space<hbm>>) target(%arg7 : memref<4x64xf32, #tpu.memory_space<vmem>>) target_semaphore(%run_scoped3A : memref<!tpu.dma_semaphore, #tpu.memory_space<semaphore_mem>>)
      %dma_wait3A_268 = arith.constant 0 : i32
      %dma_wait3A_269 = tpu.memref_slice %arg3[%mul3A_2, %dma_wait3A_268] : memref<128x64xf32, #tpu.memory_space<hbm>> -> memref<4x64xf32, #tpu.memory_space<hbm>>
      %dma_wait3A_270 = arith.constant 0 : i32
      %dma_wait3A_271 = tpu.memref_slice %arg3[%mul3A_2, %dma_wait3A_270] : memref<128x64xf32, #tpu.memory_space<hbm>> -> memref<4x64xf32, #tpu.memory_space<hbm>>
      tpu.wait_dma2 semaphore(%run_scoped3A : memref<!tpu.dma_semaphore, #tpu.memory_space<semaphore_mem>>) src(%dma_wait3A_271 : memref<4x64xf32, #tpu.memory_space<hbm>>) dst(%arg7 : memref<4x64xf32, #tpu.memory_space<vmem>>)
      tpu.yield
    }) : () -> ()
    %dma_start3A = arith.constant 0 : i32
    %dma_start3A_4 = tpu.memref_slice %arg2[%mul3A_2, %dma_start3A] : memref<128x32768xf32, #tpu.memory_space<hbm>> -> memref<1x32768xf32, #tpu.memory_space<hbm>>
    %dma_start3A_5 = tpu.memref_squeeze %dma_start3A_4 : memref<1x32768xf32, #tpu.memory_space<hbm>> -> memref<32768xf32, #tpu.memory_space<hbm>>
    %dma_start3A_6 = arith.constant 0 : i32
    %dma_start3A_7 = tpu.memref_slice %arg2[%mul3A_2, %dma_start3A_6] : memref<128x32768xf32, #tpu.memory_space<hbm>> -> memref<1x32768xf32, #tpu.memory_space<hbm>>
    %dma_start3A_8 = tpu.memref_squeeze %dma_start3A_7 : memref<1x32768xf32, #tpu.memory_space<hbm>> -> memref<32768xf32, #tpu.memory_space<hbm>>
    tpu.enqueue_dma source(%dma_start3A_8 : memref<32768xf32, #tpu.memory_space<hbm>>) target(%arg5 : memref<32768xf32, #tpu.memory_space<vmem>>) target_semaphore(%arg9 : memref<!tpu.dma_semaphore, #tpu.memory_space<semaphore_mem>>)
    %dma_wait3A = arith.constant 0 : i32
    %dma_wait3A_9 = tpu.memref_slice %arg2[%mul3A_2, %dma_wait3A] : memref<128x32768xf32, #tpu.memory_space<hbm>> -> memref<1x32768xf32, #tpu.memory_space<hbm>>
    %dma_wait3A_10 = tpu.memref_squeeze %dma_wait3A_9 : memref<1x32768xf32, #tpu.memory_space<hbm>> -> memref<32768xf32, #tpu.memory_space<hbm>>
    %dma_wait3A_11 = arith.constant 0 : i32
    %dma_wait3A_12 = tpu.memref_slice %arg2[%mul3A_2, %dma_wait3A_11] : memref<128x32768xf32, #tpu.memory_space<hbm>> -> memref<1x32768xf32, #tpu.memory_space<hbm>>
    %dma_wait3A_13 = tpu.memref_squeeze %dma_wait3A_12 : memref<1x32768xf32, #tpu.memory_space<hbm>> -> memref<32768xf32, #tpu.memory_space<hbm>>
    tpu.wait_dma2 semaphore(%arg9 : memref<!tpu.dma_semaphore, #tpu.memory_space<semaphore_mem>>) src(%dma_wait3A_13 : memref<32768xf32, #tpu.memory_space<hbm>>) dst(%arg5 : memref<32768xf32, #tpu.memory_space<vmem>>)
    %add3A_14 = arith.constant 0 : i32
    %add3A_15 = arith.addi %mul3A_2, %add3A_14 : i32
    %add3A_16 = arith.constant 1 : i32
    %add3A_17 = arith.addi %add3A_15, %add3A_16 : i32
    %dma_start3A_18 = arith.constant 0 : i32
    %dma_start3A_19 = tpu.memref_slice %arg2[%add3A_17, %dma_start3A_18] : memref<128x32768xf32, #tpu.memory_space<hbm>> -> memref<1x32768xf32, #tpu.memory_space<hbm>>
    %dma_start3A_20 = tpu.memref_squeeze %dma_start3A_19 : memref<1x32768xf32, #tpu.memory_space<hbm>> -> memref<32768xf32, #tpu.memory_space<hbm>>
    %dma_start3A_21 = arith.constant 0 : i32
    %dma_start3A_22 = tpu.memref_slice %arg2[%add3A_17, %dma_start3A_21] : memref<128x32768xf32, #tpu.memory_space<hbm>> -> memref<1x32768xf32, #tpu.memory_space<hbm>>
    %dma_start3A_23 = tpu.memref_squeeze %dma_start3A_22 : memref<1x32768xf32, #tpu.memory_space<hbm>> -> memref<32768xf32, #tpu.memory_space<hbm>>
    tpu.enqueue_dma source(%dma_start3A_23 : memref<32768xf32, #tpu.memory_space<hbm>>) target(%arg6 : memref<32768xf32, #tpu.memory_space<vmem>>) target_semaphore(%arg10 : memref<!tpu.dma_semaphore, #tpu.memory_space<semaphore_mem>>)
    %broadcast_in_dim3A_24 = arith.constant 0xFF800000 : f32
    %broadcast_in_dim3A_25 = vector.broadcast %broadcast_in_dim3A_24 : f32 to vector<16xf32>
    %broadcast_in_dim3A_26 = arith.constant 0xFF800000 : f32
    %broadcast_in_dim3A_27 = vector.broadcast %broadcast_in_dim3A_26 : f32 to vector<16xf32>
    %broadcast_in_dim3A_28 = arith.constant 0xFF800000 : f32
    %broadcast_in_dim3A_29 = vector.broadcast %broadcast_in_dim3A_28 : f32 to vector<16xf32>
    %broadcast_in_dim3A_30 = arith.constant 0xFF800000 : f32
    %broadcast_in_dim3A_31 = vector.broadcast %broadcast_in_dim3A_30 : f32 to vector<16xf32>
    %scan3A = arith.constant 0 : i32
    %scan3A_32 = arith.constant 512 : i32
    %scan3A_33 = arith.addi %scan3A, %scan3A_32 : i32
    %scan3A_34 = arith.constant 1 : i32
    %scan3A_35:4 = scf.for %scan3A_264 = %scan3A to %scan3A_33 step %scan3A_34 iter_args(%scan3A_265 = %broadcast_in_dim3A_25, %scan3A_266 = %broadcast_in_dim3A_27, %scan3A_267 = %broadcast_in_dim3A_29, %scan3A_268 = %broadcast_in_dim3A_31) -> (vector<16xf32>, vector<16xf32>, vector<16xf32>, vector<16xf32>)  : i32 {
      %mul3A_269 = arith.constant 64 : i32
      %mul3A_270 = arith.muli %scan3A_264, %mul3A_269 : i32
      %get3A_271 = arith.index_cast %mul3A_270 : i32 to index
      %get3A_272 = tpu.vector_load %arg5[%get3A_271] {strides = array<i32>} : memref<32768xf32, #tpu.memory_space<vmem>>, vector<16xf32>,
      %add3A_273 = arith.constant 16 : i32
      %add3A_274 = arith.addi %mul3A_270, %add3A_273 : i32
      %get3A_275 = arith.index_cast %add3A_274 : i32 to index
      %get3A_276 = tpu.vector_load %arg5[%get3A_275] {strides = array<i32>} : memref<32768xf32, #tpu.memory_space<vmem>>, vector<16xf32>,
      %add3A_277 = arith.constant 32 : i32
      %add3A_278 = arith.addi %mul3A_270, %add3A_277 : i32
      %get3A_279 = arith.index_cast %add3A_278 : i32 to index
      %get3A_280 = tpu.vector_load %arg5[%get3A_279] {strides = array<i32>} : memref<32768xf32, #tpu.memory_space<vmem>>, vector<16xf32>,
      %add3A_281 = arith.constant 48 : i32
      %add3A_282 = arith.addi %mul3A_270, %add3A_281 : i32
      %get3A_283 = arith.index_cast %add3A_282 : i32 to index
      %get3A_284 = tpu.vector_load %arg5[%get3A_283] {strides = array<i32>} : memref<32768xf32, #tpu.memory_space<vmem>>, vector<16xf32>,
      %masked_sort3A = arith.constant dense<true> : vector<16xi1>
      %masked_sort3A_285, %masked_sort3A_286, %masked_sort3A_287 = tpu.sort %get3A_272, %get3A_272 masked %masked_sort3A : (vector<16xf32>, vector<16xf32>, vector<16xi1>) -> (vector<16xi1>, vector<16xf32>, vector<16xf32>)
      %masked_sort3A_288 = arith.constant dense<true> : vector<16xi1>
      %masked_sort3A_289, %masked_sort3A_290, %masked_sort3A_291 = tpu.sort %get3A_276, %get3A_276 masked %masked_sort3A_288 : (vector<16xf32>, vector<16xf32>, vector<16xi1>) -> (vector<16xi1>, vector<16xf32>, vector<16xf32>)
      %masked_sort3A_292 = arith.constant dense<true> : vector<16xi1>
      %masked_sort3A_293, %masked_sort3A_294, %masked_sort3A_295 = tpu.sort %get3A_280, %get3A_280 masked %masked_sort3A_292 : (vector<16xf32>, vector<16xf32>, vector<16xi1>) -> (vector<16xi1>, vector<16xf32>, vector<16xf32>)
      %masked_sort3A_296 = arith.constant dense<true> : vector<16xi1>
      %masked_sort3A_297, %masked_sort3A_298, %masked_sort3A_299 = tpu.sort %get3A_284, %get3A_284 masked %masked_sort3A_296 : (vector<16xf32>, vector<16xf32>, vector<16xi1>) -> (vector<16xi1>, vector<16xf32>, vector<16xf32>)
      %rev3A = arith.constant 15 : i32
      %rev3A_300 = vector.broadcast %rev3A : i32 to vector<16xi32>
      %rev3A_301 = tpu.iota {dimensions = array<i32: 0>} : vector<16xi32>
      %rev3A_302 = arith.subi %rev3A_300, %rev3A_301 : vector<16xi32>
      %rev3A_303 = tpu.dynamic_gather %masked_sort3A_290[%rev3A_302] in [0] : vector<16xf32>, vector<16xi32> -> vector<16xf32>
      %max3A = arith.maximumf %masked_sort3A_286, %rev3A_303 : vector<16xf32>
      %masked_sort3A_304 = arith.constant dense<true> : vector<16xi1>
      %masked_sort3A_305, %masked_sort3A_306, %masked_sort3A_307 = tpu.sort %max3A, %max3A masked %masked_sort3A_304 {descending = true} : (vector<16xf32>, vector<16xf32>, vector<16xi1>) -> (vector<16xi1>, vector<16xf32>, vector<16xf32>)
      %rev3A_308 = arith.constant 15 : i32
      %rev3A_309 = vector.broadcast %rev3A_308 : i32 to vector<16xi32>
      %rev3A_310 = tpu.iota {dimensions = array<i32: 0>} : vector<16xi32>
      %rev3A_311 = arith.subi %rev3A_309, %rev3A_310 : vector<16xi32>
      %rev3A_312 = tpu.dynamic_gather %masked_sort3A_290[%rev3A_311] in [0] : vector<16xf32>, vector<16xi32> -> vector<16xf32>
      %min3A = arith.minimumf %masked_sort3A_286, %rev3A_312 : vector<16xf32>
      %masked_sort3A_313 = arith.constant dense<true> : vector<16xi1>
      %masked_sort3A_314, %masked_sort3A_315, %masked_sort3A_316 = tpu.sort %min3A, %min3A masked %masked_sort3A_313 {descending = true} : (vector<16xf32>, vector<16xf32>, vector<16xi1>) -> (vector<16xi1>, vector<16xf32>, vector<16xf32>)
      %rev3A_317 = arith.constant 15 : i32
      %rev3A_318 = vector.broadcast %rev3A_317 : i32 to vector<16xi32>
      %rev3A_319 = tpu.iota {dimensions = array<i32: 0>} : vector<16xi32>
      %rev3A_320 = arith.subi %rev3A_318, %rev3A_319 : vector<16xi32>
      %rev3A_321 = tpu.dynamic_gather %masked_sort3A_298[%rev3A_320] in [0] : vector<16xf32>, vector<16xi32> -> vector<16xf32>
      %max3A_322 = arith.maximumf %masked_sort3A_294, %rev3A_321 : vector<16xf32>
      %masked_sort3A_323 = arith.constant dense<true> : vector<16xi1>
      %masked_sort3A_324, %masked_sort3A_325, %masked_sort3A_326 = tpu.sort %max3A_322, %max3A_322 masked %masked_sort3A_323 {descending = true} : (vector<16xf32>, vector<16xf32>, vector<16xi1>) -> (vector<16xi1>, vector<16xf32>, vector<16xf32>)
      %rev3A_327 = arith.constant 15 : i32
      %rev3A_328 = vector.broadcast %rev3A_327 : i32 to vector<16xi32>
      %rev3A_329 = tpu.iota {dimensions = array<i32: 0>} : vector<16xi32>
      %rev3A_330 = arith.subi %rev3A_328, %rev3A_329 : vector<16xi32>
      %rev3A_331 = tpu.dynamic_gather %masked_sort3A_298[%rev3A_330] in [0] : vector<16xf32>, vector<16xi32> -> vector<16xf32>
      %min3A_332 = arith.minimumf %masked_sort3A_294, %rev3A_331 : vector<16xf32>
      %masked_sort3A_333 = arith.constant dense<true> : vector<16xi1>
      %masked_sort3A_334, %masked_sort3A_335, %masked_sort3A_336 = tpu.sort %min3A_332, %min3A_332 masked %masked_sort3A_333 {descending = true} : (vector<16xf32>, vector<16xf32>, vector<16xi1>) -> (vector<16xi1>, vector<16xf32>, vector<16xf32>)
      %rev3A_337 = arith.constant 15 : i32
      %rev3A_338 = vector.broadcast %rev3A_337 : i32 to vector<16xi32>
      %rev3A_339 = tpu.iota {dimensions = array<i32: 0>} : vector<16xi32>
      %rev3A_340 = arith.subi %rev3A_338, %rev3A_339 : vector<16xi32>
      %rev3A_341 = tpu.dynamic_gather %masked_sort3A_335[%rev3A_340] in [0] : vector<16xf32>, vector<16xi32> -> vector<16xf32>
      %rev3A_342 = arith.constant 15 : i32
      %rev3A_343 = vector.broadcast %rev3A_342 : i32 to vector<16xi32>
      %rev3A_344 = tpu.iota {dimensions = array<i32: 0>} : vector<16xi32>
      %rev3A_345 = arith.subi %rev3A_343, %rev3A_344 : vector<16xi32>
      %rev3A_346 = tpu.dynamic_gather %masked_sort3A_325[%rev3A_345] in [0] : vector<16xf32>, vector<16xi32> -> vector<16xf32>
      %max3A_347 = arith.maximumf %masked_sort3A_306, %rev3A_341 : vector<16xf32>
      %max3A_348 = arith.maximumf %masked_sort3A_315, %rev3A_346 : vector<16xf32>
      %min3A_349 = arith.minimumf %masked_sort3A_306, %rev3A_341 : vector<16xf32>
      %min3A_350 = arith.minimumf %masked_sort3A_315, %rev3A_346 : vector<16xf32>
      %max3A_351 = arith.maximumf %max3A_347, %max3A_348 : vector<16xf32>
      %masked_sort3A_352 = arith.constant dense<true> : vector<16xi1>
      %masked_sort3A_353, %masked_sort3A_354, %masked_sort3A_355 = tpu.sort %max3A_351, %max3A_351 masked %masked_sort3A_352 {descending = true} : (vector<16xf32>, vector<16xf32>, vector<16xi1>) -> (vector<16xi1>, vector<16xf32>, vector<16xf32>)
      %min3A_356 = arith.minimumf %max3A_347, %max3A_348 : vector<16xf32>
      %masked_sort3A_357 = arith.constant dense<true> : vector<16xi1>
      %masked_sort3A_358, %masked_sort3A_359, %masked_sort3A_360 = tpu.sort %min3A_356, %min3A_356 masked %masked_sort3A_357 {descending = true} : (vector<16xf32>, vector<16xf32>, vector<16xi1>) -> (vector<16xi1>, vector<16xf32>, vector<16xf32>)
      %max3A_361 = arith.maximumf %min3A_349, %min3A_350 : vector<16xf32>
      %masked_sort3A_362 = arith.constant dense<true> : vector<16xi1>
      %masked_sort3A_363, %masked_sort3A_364, %masked_sort3A_365 = tpu.sort %max3A_361, %max3A_361 masked %masked_sort3A_362 {descending = true} : (vector<16xf32>, vector<16xf32>, vector<16xi1>) -> (vector<16xi1>, vector<16xf32>, vector<16xf32>)
      %min3A_366 = arith.minimumf %min3A_349, %min3A_350 : vector<16xf32>
      %masked_sort3A_367 = arith.constant dense<true> : vector<16xi1>
      %masked_sort3A_368, %masked_sort3A_369, %masked_sort3A_370 = tpu.sort %min3A_366, %min3A_366 masked %masked_sort3A_367 {descending = true} : (vector<16xf32>, vector<16xf32>, vector<16xi1>) -> (vector<16xi1>, vector<16xf32>, vector<16xf32>)
      %rev3A_371 = arith.constant 15 : i32
      %rev3A_372 = vector.broadcast %rev3A_371 : i32 to vector<16xi32>
      %rev3A_373 = tpu.iota {dimensions = array<i32: 0>} : vector<16xi32>
      %rev3A_374 = arith.subi %rev3A_372, %rev3A_373 : vector<16xi32>
      %rev3A_375 = tpu.dynamic_gather %masked_sort3A_369[%rev3A_374] in [0] : vector<16xf32>, vector<16xi32> -> vector<16xf32>
      %max3A_376 = arith.maximumf %scan3A_265, %rev3A_375 : vector<16xf32>
      %rev3A_377 = arith.constant 15 : i32
      %rev3A_378 = vector.broadcast %rev3A_377 : i32 to vector<16xi32>
      %rev3A_379 = tpu.iota {dimensions = array<i32: 0>} : vector<16xi32>
      %rev3A_380 = arith.subi %rev3A_378, %rev3A_379 : vector<16xi32>
      %rev3A_381 = tpu.dynamic_gather %masked_sort3A_364[%rev3A_380] in [0] : vector<16xf32>, vector<16xi32> -> vector<16xf32>
      %max3A_382 = arith.maximumf %scan3A_266, %rev3A_381 : vector<16xf32>
      %rev3A_383 = arith.constant 15 : i32
      %rev3A_384 = vector.broadcast %rev3A_383 : i32 to vector<16xi32>
      %rev3A_385 = tpu.iota {dimensions = array<i32: 0>} : vector<16xi32>
      %rev3A_386 = arith.subi %rev3A_384, %rev3A_385 : vector<16xi32>
      %rev3A_387 = tpu.dynamic_gather %masked_sort3A_359[%rev3A_386] in [0] : vector<16xf32>, vector<16xi32> -> vector<16xf32>
      %max3A_388 = arith.maximumf %scan3A_267, %rev3A_387 : vector<16xf32>
      %rev3A_389 = arith.constant 15 : i32
      %rev3A_390 = vector.broadcast %rev3A_389 : i32 to vector<16xi32>
      %rev3A_391 = tpu.iota {dimensions = array<i32: 0>} : vector<16xi32>
      %rev3A_392 = arith.subi %rev3A_390, %rev3A_391 : vector<16xi32>
      %rev3A_393 = tpu.dynamic_gather %masked_sort3A_354[%rev3A_392] in [0] : vector<16xf32>, vector<16xi32> -> vector<16xf32>
      %max3A_394 = arith.maximumf %scan3A_268, %rev3A_393 : vector<16xf32>
      %max3A_395 = arith.maximumf %max3A_376, %max3A_388 : vector<16xf32>
      %min3A_396 = arith.minimumf %max3A_376, %max3A_388 : vector<16xf32>
      %max3A_397 = arith.maximumf %max3A_382, %max3A_394 : vector<16xf32>
      %min3A_398 = arith.minimumf %max3A_382, %max3A_394 : vector<16xf32>
      %max3A_399 = arith.maximumf %max3A_395, %max3A_397 : vector<16xf32>
      %masked_sort3A_400 = arith.constant dense<true> : vector<16xi1>
      %masked_sort3A_401, %masked_sort3A_402, %masked_sort3A_403 = tpu.sort %max3A_399, %max3A_399 masked %masked_sort3A_400 {descending = true} : (vector<16xf32>, vector<16xf32>, vector<16xi1>) -> (vector<16xi1>, vector<16xf32>, vector<16xf32>)
      %min3A_404 = arith.minimumf %max3A_395, %max3A_397 : vector<16xf32>
      %masked_sort3A_405 = arith.constant dense<true> : vector<16xi1>
      %masked_sort3A_406, %masked_sort3A_407, %masked_sort3A_408 = tpu.sort %min3A_404, %min3A_404 masked %masked_sort3A_405 {descending = true} : (vector<16xf32>, vector<16xf32>, vector<16xi1>) -> (vector<16xi1>, vector<16xf32>, vector<16xf32>)
      %max3A_409 = arith.maximumf %min3A_396, %min3A_398 : vector<16xf32>
      %masked_sort3A_410 = arith.constant dense<true> : vector<16xi1>
      %masked_sort3A_411, %masked_sort3A_412, %masked_sort3A_413 = tpu.sort %max3A_409, %max3A_409 masked %masked_sort3A_410 {descending = true} : (vector<16xf32>, vector<16xf32>, vector<16xi1>) -> (vector<16xi1>, vector<16xf32>, vector<16xf32>)
      %min3A_414 = arith.minimumf %min3A_396, %min3A_398 : vector<16xf32>
      %masked_sort3A_415 = arith.constant dense<true> : vector<16xi1>
      %masked_sort3A_416, %masked_sort3A_417, %masked_sort3A_418 = tpu.sort %min3A_414, %min3A_414 masked %masked_sort3A_415 {descending = true} : (vector<16xf32>, vector<16xf32>, vector<16xi1>) -> (vector<16xi1>, vector<16xf32>, vector<16xf32>)
      scf.yield %masked_sort3A_402, %masked_sort3A_407, %masked_sort3A_412, %masked_sort3A_417 : vector<16xf32>, vector<16xf32>, vector<16xf32>, vector<16xf32>
    }
    %scan3A_36 = arith.constant 512 : i32
    %slice3A = vector.extract_strided_slice %scan3A_35#3 {offsets = [15], sizes = [1], strides = [1]} : vector<16xf32> to vector<1xf32>
    %squeeze3A = vector.extract %slice3A[0] : f32 from vector<1xf32>
    %scan3A_37 = arith.constant 128 : i32
    %scan3A_38 = arith.constant 0 : i32
    %scan3A_39 = arith.addi %scan3A_37, %scan3A_38 : i32
    %scan3A_40 = arith.constant 0 : i32
    %get3A = arith.constant 0 : i32
    %get3A_41 = arith.index_cast %get3A : i32 to index
    %get3A_42 = arith.constant 0 : index
    %get3A_43 = tpu.vector_load %arg7[%get3A_41, %get3A_42] {strides = array<i32>} : memref<4x64xf32, #tpu.memory_space<vmem>>, vector<16xf32>,
    %mul3A_44 = arith.mulf %scan3A_35#0, %get3A_43 : vector<16xf32>
    %get3A_45 = arith.constant 0 : i32
    %get3A_46 = arith.index_cast %get3A_45 : i32 to index
    %get3A_47 = arith.constant 16 : index
    %get3A_48 = tpu.vector_load %arg7[%get3A_46, %get3A_47] {strides = array<i32>} : memref<4x64xf32, #tpu.memory_space<vmem>>, vector<16xf32>,
    %mul3A_49 = arith.mulf %scan3A_35#1, %get3A_48 : vector<16xf32>
    %add3A_50 = arith.addf %mul3A_44, %mul3A_49 : vector<16xf32>
    %get3A_51 = arith.constant 0 : i32
    %get3A_52 = arith.index_cast %get3A_51 : i32 to index
    %get3A_53 = arith.constant 32 : index
    %get3A_54 = tpu.vector_load %arg7[%get3A_52, %get3A_53] {strides = array<i32>} : memref<4x64xf32, #tpu.memory_space<vmem>>, vector<16xf32>,
    %mul3A_55 = arith.mulf %scan3A_35#2, %get3A_54 : vector<16xf32>
    %add3A_56 = arith.addf %add3A_50, %mul3A_55 : vector<16xf32>
    %get3A_57 = arith.constant 0 : i32
    %get3A_58 = arith.index_cast %get3A_57 : i32 to index
    %get3A_59 = arith.constant 48 : index
    %get3A_60 = tpu.vector_load %arg7[%get3A_58, %get3A_59] {strides = array<i32>} : memref<4x64xf32, #tpu.memory_space<vmem>>, vector<16xf32>,
    %mul3A_61 = arith.mulf %scan3A_35#3, %get3A_60 : vector<16xf32>
    %add3A_62 = arith.addf %add3A_56, %mul3A_61 : vector<16xf32>
    %reduce_sum3A = arith.constant true
    %reduce_sum3A_63 = vector.broadcast %reduce_sum3A : i1 to vector<16xi1>
    %reduce_sum3A_64 = tpu.scan <sum>, %add3A_62 masked %reduce_sum3A_63 : vector<16xf32>, vector<16xi1> -> vector<16xf32>
    %reduce_sum3A_65 = vector.extract %reduce_sum3A_64[15] : f32 from vector<16xf32>
    %eq3A = arith.constant 0 : i32
    %eq3A_66 = vector.broadcast %eq3A : i32 to vector<16xi32>
    %eq3A_67 = arith.cmpi eq, %iota3A, %eq3A_66 : vector<16xi32>
    %broadcast_in_dim3A_68 = vector.broadcast %reduce_sum3A_65 : f32 to vector<16xf32>
    %select_n3A = arith.select %eq3A_67, %broadcast_in_dim3A_68, %broadcast_in_dim3A_3 : vector<16xi1>, vector<16xf32>
    %dma_wait3A_69 = arith.constant 0 : i32
    %dma_wait3A_70 = tpu.memref_slice %arg2[%add3A_17, %dma_wait3A_69] : memref<128x32768xf32, #tpu.memory_space<hbm>> -> memref<1x32768xf32, #tpu.memory_space<hbm>>
    %dma_wait3A_71 = tpu.memref_squeeze %dma_wait3A_70 : memref<1x32768xf32, #tpu.memory_space<hbm>> -> memref<32768xf32, #tpu.memory_space<hbm>>
    %dma_wait3A_72 = arith.constant 0 : i32
    %dma_wait3A_73 = tpu.memref_slice %arg2[%add3A_17, %dma_wait3A_72] : memref<128x32768xf32, #tpu.memory_space<hbm>> -> memref<1x32768xf32, #tpu.memory_space<hbm>>
    %dma_wait3A_74 = tpu.memref_squeeze %dma_wait3A_73 : memref<1x32768xf32, #tpu.memory_space<hbm>> -> memref<32768xf32, #tpu.memory_space<hbm>>
    tpu.wait_dma2 semaphore(%arg10 : memref<!tpu.dma_semaphore, #tpu.memory_space<semaphore_mem>>) src(%dma_wait3A_74 : memref<32768xf32, #tpu.memory_space<hbm>>) dst(%arg6 : memref<32768xf32, #tpu.memory_space<vmem>>)
    %add3A_75 = arith.constant 1 : i32
    %add3A_76 = arith.addi %mul3A_2, %add3A_75 : i32
    %add3A_77 = arith.constant 1 : i32
    %add3A_78 = arith.addi %add3A_76, %add3A_77 : i32
    %dma_start3A_79 = arith.constant 0 : i32
    %dma_start3A_80 = tpu.memref_slice %arg2[%add3A_78, %dma_start3A_79] : memref<128x32768xf32, #tpu.memory_space<hbm>> -> memref<1x32768xf32, #tpu.memory_space<hbm>>
    %dma_start3A_81 = tpu.memref_squeeze %dma_start3A_80 : memref<1x32768xf32, #tpu.memory_space<hbm>> -> memref<32768xf32, #tpu.memory_space<hbm>>
    %dma_start3A_82 = arith.constant 0 : i32
    %dma_start3A_83 = tpu.memref_slice %arg2[%add3A_78, %dma_start3A_82] : memref<128x32768xf32, #tpu.memory_space<hbm>> -> memref<1x32768xf32, #tpu.memory_space<hbm>>
    %dma_start3A_84 = tpu.memref_squeeze %dma_start3A_83 : memref<1x32768xf32, #tpu.memory_space<hbm>> -> memref<32768xf32, #tpu.memory_space<hbm>>
    tpu.enqueue_dma source(%dma_start3A_84 : memref<32768xf32, #tpu.memory_space<hbm>>) target(%arg5 : memref<32768xf32, #tpu.memory_space<vmem>>) target_semaphore(%arg9 : memref<!tpu.dma_semaphore, #tpu.memory_space<semaphore_mem>>)
    %broadcast_in_dim3A_85 = arith.constant 0xFF800000 : f32
    %broadcast_in_dim3A_86 = vector.broadcast %broadcast_in_dim3A_85 : f32 to vector<16xf32>
    %broadcast_in_dim3A_87 = arith.constant 0xFF800000 : f32
    %broadcast_in_dim3A_88 = vector.broadcast %broadcast_in_dim3A_87 : f32 to vector<16xf32>
    %broadcast_in_dim3A_89 = arith.constant 0xFF800000 : f32
    %broadcast_in_dim3A_90 = vector.broadcast %broadcast_in_dim3A_89 : f32 to vector<16xf32>
    %broadcast_in_dim3A_91 = arith.constant 0xFF800000 : f32
    %broadcast_in_dim3A_92 = vector.broadcast %broadcast_in_dim3A_91 : f32 to vector<16xf32>
    %scan3A_93 = arith.constant 0 : i32
    %scan3A_94 = arith.constant 512 : i32
    %scan3A_95 = arith.addi %scan3A_93, %scan3A_94 : i32
    %scan3A_96 = arith.constant 1 : i32
    %scan3A_97:4 = scf.for %scan3A_264 = %scan3A_93 to %scan3A_95 step %scan3A_96 iter_args(%scan3A_265 = %broadcast_in_dim3A_86, %scan3A_266 = %broadcast_in_dim3A_88, %scan3A_267 = %broadcast_in_dim3A_90, %scan3A_268 = %broadcast_in_dim3A_92) -> (vector<16xf32>, vector<16xf32>, vector<16xf32>, vector<16xf32>)  : i32 {
      %mul3A_269 = arith.constant 64 : i32
      %mul3A_270 = arith.muli %scan3A_264, %mul3A_269 : i32
      %get3A_271 = arith.index_cast %mul3A_270 : i32 to index
      %get3A_272 = tpu.vector_load %arg6[%get3A_271] {strides = array<i32>} : memref<32768xf32, #tpu.memory_space<vmem>>, vector<16xf32>,
      %add3A_273 = arith.constant 16 : i32
      %add3A_274 = arith.addi %mul3A_270, %add3A_273 : i32
      %get3A_275 = arith.index_cast %add3A_274 : i32 to index
      %get3A_276 = tpu.vector_load %arg6[%get3A_275] {strides = array<i32>} : memref<32768xf32, #tpu.memory_space<vmem>>, vector<16xf32>,
      %add3A_277 = arith.constant 32 : i32
      %add3A_278 = arith.addi %mul3A_270, %add3A_277 : i32
      %get3A_279 = arith.index_cast %add3A_278 : i32 to index
      %get3A_280 = tpu.vector_load %arg6[%get3A_279] {strides = array<i32>} : memref<32768xf32, #tpu.memory_space<vmem>>, vector<16xf32>,
      %add3A_281 = arith.constant 48 : i32
      %add3A_282 = arith.addi %mul3A_270, %add3A_281 : i32
      %get3A_283 = arith.index_cast %add3A_282 : i32 to index
      %get3A_284 = tpu.vector_load %arg6[%get3A_283] {strides = array<i32>} : memref<32768xf32, #tpu.memory_space<vmem>>, vector<16xf32>,
      %masked_sort3A = arith.constant dense<true> : vector<16xi1>
      %masked_sort3A_285, %masked_sort3A_286, %masked_sort3A_287 = tpu.sort %get3A_272, %get3A_272 masked %masked_sort3A : (vector<16xf32>, vector<16xf32>, vector<16xi1>) -> (vector<16xi1>, vector<16xf32>, vector<16xf32>)
      %masked_sort3A_288 = arith.constant dense<true> : vector<16xi1>
      %masked_sort3A_289, %masked_sort3A_290, %masked_sort3A_291 = tpu.sort %get3A_276, %get3A_276 masked %masked_sort3A_288 : (vector<16xf32>, vector<16xf32>, vector<16xi1>) -> (vector<16xi1>, vector<16xf32>, vector<16xf32>)
      %masked_sort3A_292 = arith.constant dense<true> : vector<16xi1>
      %masked_sort3A_293, %masked_sort3A_294, %masked_sort3A_295 = tpu.sort %get3A_280, %get3A_280 masked %masked_sort3A_292 : (vector<16xf32>, vector<16xf32>, vector<16xi1>) -> (vector<16xi1>, vector<16xf32>, vector<16xf32>)
      %masked_sort3A_296 = arith.constant dense<true> : vector<16xi1>
      %masked_sort3A_297, %masked_sort3A_298, %masked_sort3A_299 = tpu.sort %get3A_284, %get3A_284 masked %masked_sort3A_296 : (vector<16xf32>, vector<16xf32>, vector<16xi1>) -> (vector<16xi1>, vector<16xf32>, vector<16xf32>)
      %rev3A = arith.constant 15 : i32
      %rev3A_300 = vector.broadcast %rev3A : i32 to vector<16xi32>
      %rev3A_301 = tpu.iota {dimensions = array<i32: 0>} : vector<16xi32>
      %rev3A_302 = arith.subi %rev3A_300, %rev3A_301 : vector<16xi32>
      %rev3A_303 = tpu.dynamic_gather %masked_sort3A_290[%rev3A_302] in [0] : vector<16xf32>, vector<16xi32> -> vector<16xf32>
      %max3A = arith.maximumf %masked_sort3A_286, %rev3A_303 : vector<16xf32>
      %masked_sort3A_304 = arith.constant dense<true> : vector<16xi1>
      %masked_sort3A_305, %masked_sort3A_306, %masked_sort3A_307 = tpu.sort %max3A, %max3A masked %masked_sort3A_304 {descending = true} : (vector<16xf32>, vector<16xf32>, vector<16xi1>) -> (vector<16xi1>, vector<16xf32>, vector<16xf32>)
      %rev3A_308 = arith.constant 15 : i32
      %rev3A_309 = vector.broadcast %rev3A_308 : i32 to vector<16xi32>
      %rev3A_310 = tpu.iota {dimensions = array<i32: 0>} : vector<16xi32>
      %rev3A_311 = arith.subi %rev3A_309, %rev3A_310 : vector<16xi32>
      %rev3A_312 = tpu.dynamic_gather %masked_sort3A_290[%rev3A_311] in [0] : vector<16xf32>, vector<16xi32> -> vector<16xf32>
      %min3A = arith.minimumf %masked_sort3A_286, %rev3A_312 : vector<16xf32>
      %masked_sort3A_313 = arith.constant dense<true> : vector<16xi1>
      %masked_sort3A_314, %masked_sort3A_315, %masked_sort3A_316 = tpu.sort %min3A, %min3A masked %masked_sort3A_313 {descending = true} : (vector<16xf32>, vector<16xf32>, vector<16xi1>) -> (vector<16xi1>, vector<16xf32>, vector<16xf32>)
      %rev3A_317 = arith.constant 15 : i32
      %rev3A_318 = vector.broadcast %rev3A_317 : i32 to vector<16xi32>
      %rev3A_319 = tpu.iota {dimensions = array<i32: 0>} : vector<16xi32>
      %rev3A_320 = arith.subi %rev3A_318, %rev3A_319 : vector<16xi32>
      %rev3A_321 = tpu.dynamic_gather %masked_sort3A_298[%rev3A_320] in [0] : vector<16xf32>, vector<16xi32> -> vector<16xf32>
      %max3A_322 = arith.maximumf %masked_sort3A_294, %rev3A_321 : vector<16xf32>
      %masked_sort3A_323 = arith.constant dense<true> : vector<16xi1>
      %masked_sort3A_324, %masked_sort3A_325, %masked_sort3A_326 = tpu.sort %max3A_322, %max3A_322 masked %masked_sort3A_323 {descending = true} : (vector<16xf32>, vector<16xf32>, vector<16xi1>) -> (vector<16xi1>, vector<16xf32>, vector<16xf32>)
      %rev3A_327 = arith.constant 15 : i32
      %rev3A_328 = vector.broadcast %rev3A_327 : i32 to vector<16xi32>
      %rev3A_329 = tpu.iota {dimensions = array<i32: 0>} : vector<16xi32>
      %rev3A_330 = arith.subi %rev3A_328, %rev3A_329 : vector<16xi32>
      %rev3A_331 = tpu.dynamic_gather %masked_sort3A_298[%rev3A_330] in [0] : vector<16xf32>, vector<16xi32> -> vector<16xf32>
      %min3A_332 = arith.minimumf %masked_sort3A_294, %rev3A_331 : vector<16xf32>
      %masked_sort3A_333 = arith.constant dense<true> : vector<16xi1>
      %masked_sort3A_334, %masked_sort3A_335, %masked_sort3A_336 = tpu.sort %min3A_332, %min3A_332 masked %masked_sort3A_333 {descending = true} : (vector<16xf32>, vector<16xf32>, vector<16xi1>) -> (vector<16xi1>, vector<16xf32>, vector<16xf32>)
      %rev3A_337 = arith.constant 15 : i32
      %rev3A_338 = vector.broadcast %rev3A_337 : i32 to vector<16xi32>
      %rev3A_339 = tpu.iota {dimensions = array<i32: 0>} : vector<16xi32>
      %rev3A_340 = arith.subi %rev3A_338, %rev3A_339 : vector<16xi32>
      %rev3A_341 = tpu.dynamic_gather %masked_sort3A_335[%rev3A_340] in [0] : vector<16xf32>, vector<16xi32> -> vector<16xf32>
      %rev3A_342 = arith.constant 15 : i32
      %rev3A_343 = vector.broadcast %rev3A_342 : i32 to vector<16xi32>
      %rev3A_344 = tpu.iota {dimensions = array<i32: 0>} : vector<16xi32>
      %rev3A_345 = arith.subi %rev3A_343, %rev3A_344 : vector<16xi32>
      %rev3A_346 = tpu.dynamic_gather %masked_sort3A_325[%rev3A_345] in [0] : vector<16xf32>, vector<16xi32> -> vector<16xf32>
      %max3A_347 = arith.maximumf %masked_sort3A_306, %rev3A_341 : vector<16xf32>
      %max3A_348 = arith.maximumf %masked_sort3A_315, %rev3A_346 : vector<16xf32>
      %min3A_349 = arith.minimumf %masked_sort3A_306, %rev3A_341 : vector<16xf32>
      %min3A_350 = arith.minimumf %masked_sort3A_315, %rev3A_346 : vector<16xf32>
      %max3A_351 = arith.maximumf %max3A_347, %max3A_348 : vector<16xf32>
      %masked_sort3A_352 = arith.constant dense<true> : vector<16xi1>
      %masked_sort3A_353, %masked_sort3A_354, %masked_sort3A_355 = tpu.sort %max3A_351, %max3A_351 masked %masked_sort3A_352 {descending = true} : (vector<16xf32>, vector<16xf32>, vector<16xi1>) -> (vector<16xi1>, vector<16xf32>, vector<16xf32>)
      %min3A_356 = arith.minimumf %max3A_347, %max3A_348 : vector<16xf32>
      %masked_sort3A_357 = arith.constant dense<true> : vector<16xi1>
      %masked_sort3A_358, %masked_sort3A_359, %masked_sort3A_360 = tpu.sort %min3A_356, %min3A_356 masked %masked_sort3A_357 {descending = true} : (vector<16xf32>, vector<16xf32>, vector<16xi1>) -> (vector<16xi1>, vector<16xf32>, vector<16xf32>)
      %max3A_361 = arith.maximumf %min3A_349, %min3A_350 : vector<16xf32>
      %masked_sort3A_362 = arith.constant dense<true> : vector<16xi1>
      %masked_sort3A_363, %masked_sort3A_364, %masked_sort3A_365 = tpu.sort %max3A_361, %max3A_361 masked %masked_sort3A_362 {descending = true} : (vector<16xf32>, vector<16xf32>, vector<16xi1>) -> (vector<16xi1>, vector<16xf32>, vector<16xf32>)
      %min3A_366 = arith.minimumf %min3A_349, %min3A_350 : vector<16xf32>
      %masked_sort3A_367 = arith.constant dense<true> : vector<16xi1>
      %masked_sort3A_368, %masked_sort3A_369, %masked_sort3A_370 = tpu.sort %min3A_366, %min3A_366 masked %masked_sort3A_367 {descending = true} : (vector<16xf32>, vector<16xf32>, vector<16xi1>) -> (vector<16xi1>, vector<16xf32>, vector<16xf32>)
      %rev3A_371 = arith.constant 15 : i32
      %rev3A_372 = vector.broadcast %rev3A_371 : i32 to vector<16xi32>
      %rev3A_373 = tpu.iota {dimensions = array<i32: 0>} : vector<16xi32>
      %rev3A_374 = arith.subi %rev3A_372, %rev3A_373 : vector<16xi32>
      %rev3A_375 = tpu.dynamic_gather %masked_sort3A_369[%rev3A_374] in [0] : vector<16xf32>, vector<16xi32> -> vector<16xf32>
      %max3A_376 = arith.maximumf %scan3A_265, %rev3A_375 : vector<16xf32>
      %rev3A_377 = arith.constant 15 : i32
      %rev3A_378 = vector.broadcast %rev3A_377 : i32 to vector<16xi32>
      %rev3A_379 = tpu.iota {dimensions = array<i32: 0>} : vector<16xi32>
      %rev3A_380 = arith.subi %rev3A_378, %rev3A_379 : vector<16xi32>
      %rev3A_381 = tpu.dynamic_gather %masked_sort3A_364[%rev3A_380] in [0] : vector<16xf32>, vector<16xi32> -> vector<16xf32>
      %max3A_382 = arith.maximumf %scan3A_266, %rev3A_381 : vector<16xf32>
      %rev3A_383 = arith.constant 15 : i32
      %rev3A_384 = vector.broadcast %rev3A_383 : i32 to vector<16xi32>
      %rev3A_385 = tpu.iota {dimensions = array<i32: 0>} : vector<16xi32>
      %rev3A_386 = arith.subi %rev3A_384, %rev3A_385 : vector<16xi32>
      %rev3A_387 = tpu.dynamic_gather %masked_sort3A_359[%rev3A_386] in [0] : vector<16xf32>, vector<16xi32> -> vector<16xf32>
      %max3A_388 = arith.maximumf %scan3A_267, %rev3A_387 : vector<16xf32>
      %rev3A_389 = arith.constant 15 : i32
      %rev3A_390 = vector.broadcast %rev3A_389 : i32 to vector<16xi32>
      %rev3A_391 = tpu.iota {dimensions = array<i32: 0>} : vector<16xi32>
      %rev3A_392 = arith.subi %rev3A_390, %rev3A_391 : vector<16xi32>
      %rev3A_393 = tpu.dynamic_gather %masked_sort3A_354[%rev3A_392] in [0] : vector<16xf32>, vector<16xi32> -> vector<16xf32>
      %max3A_394 = arith.maximumf %scan3A_268, %rev3A_393 : vector<16xf32>
      %max3A_395 = arith.maximumf %max3A_376, %max3A_388 : vector<16xf32>
      %min3A_396 = arith.minimumf %max3A_376, %max3A_388 : vector<16xf32>
      %max3A_397 = arith.maximumf %max3A_382, %max3A_394 : vector<16xf32>
      %min3A_398 = arith.minimumf %max3A_382, %max3A_394 : vector<16xf32>
      %max3A_399 = arith.maximumf %max3A_395, %max3A_397 : vector<16xf32>
      %masked_sort3A_400 = arith.constant dense<true> : vector<16xi1>
      %masked_sort3A_401, %masked_sort3A_402, %masked_sort3A_403 = tpu.sort %max3A_399, %max3A_399 masked %masked_sort3A_400 {descending = true} : (vector<16xf32>, vector<16xf32>, vector<16xi1>) -> (vector<16xi1>, vector<16xf32>, vector<16xf32>)
      %min3A_404 = arith.minimumf %max3A_395, %max3A_397 : vector<16xf32>
      %masked_sort3A_405 = arith.constant dense<true> : vector<16xi1>
      %masked_sort3A_406, %masked_sort3A_407, %masked_sort3A_408 = tpu.sort %min3A_404, %min3A_404 masked %masked_sort3A_405 {descending = true} : (vector<16xf32>, vector<16xf32>, vector<16xi1>) -> (vector<16xi1>, vector<16xf32>, vector<16xf32>)
      %max3A_409 = arith.maximumf %min3A_396, %min3A_398 : vector<16xf32>
      %masked_sort3A_410 = arith.constant dense<true> : vector<16xi1>
      %masked_sort3A_411, %masked_sort3A_412, %masked_sort3A_413 = tpu.sort %max3A_409, %max3A_409 masked %masked_sort3A_410 {descending = true} : (vector<16xf32>, vector<16xf32>, vector<16xi1>) -> (vector<16xi1>, vector<16xf32>, vector<16xf32>)
      %min3A_414 = arith.minimumf %min3A_396, %min3A_398 : vector<16xf32>
      %masked_sort3A_415 = arith.constant dense<true> : vector<16xi1>
      %masked_sort3A_416, %masked_sort3A_417, %masked_sort3A_418 = tpu.sort %min3A_414, %min3A_414 masked %masked_sort3A_415 {descending = true} : (vector<16xf32>, vector<16xf32>, vector<16xi1>) -> (vector<16xi1>, vector<16xf32>, vector<16xf32>)
      scf.yield %masked_sort3A_402, %masked_sort3A_407, %masked_sort3A_412, %masked_sort3A_417 : vector<16xf32>, vector<16xf32>, vector<16xf32>, vector<16xf32>
    }
    %scan3A_98 = arith.constant 512 : i32
    %slice3A_99 = vector.extract_strided_slice %scan3A_97#3 {offsets = [15], sizes = [1], strides = [1]} : vector<16xf32> to vector<1xf32>
    %squeeze3A_100 = vector.extract %slice3A_99[0] : f32 from vector<1xf32>
    %scan3A_101 = arith.constant 128 : i32
    %scan3A_102 = arith.constant 0 : i32
    %scan3A_103 = arith.addi %scan3A_101, %scan3A_102 : i32
    %scan3A_104 = arith.constant 0 : i32
    %get3A_105 = arith.constant 1 : i32
    %get3A_106 = arith.index_cast %get3A_105 : i32 to index
    %get3A_107 = arith.constant 0 : index
    %get3A_108 = tpu.vector_load %arg7[%get3A_106, %get3A_107] {strides = array<i32>} : memref<4x64xf32, #tpu.memory_space<vmem>>, vector<16xf32>,
    %mul3A_109 = arith.mulf %scan3A_97#0, %get3A_108 : vector<16xf32>
    %get3A_110 = arith.constant 1 : i32
    %get3A_111 = arith.index_cast %get3A_110 : i32 to index
    %get3A_112 = arith.constant 16 : index
    %get3A_113 = tpu.vector_load %arg7[%get3A_111, %get3A_112] {strides = array<i32>} : memref<4x64xf32, #tpu.memory_space<vmem>>, vector<16xf32>,
    %mul3A_114 = arith.mulf %scan3A_97#1, %get3A_113 : vector<16xf32>
    %add3A_115 = arith.addf %mul3A_109, %mul3A_114 : vector<16xf32>
    %get3A_116 = arith.constant 1 : i32
    %get3A_117 = arith.index_cast %get3A_116 : i32 to index
    %get3A_118 = arith.constant 32 : index
    %get3A_119 = tpu.vector_load %arg7[%get3A_117, %get3A_118] {strides = array<i32>} : memref<4x64xf32, #tpu.memory_space<vmem>>, vector<16xf32>,
    %mul3A_120 = arith.mulf %scan3A_97#2, %get3A_119 : vector<16xf32>
    %add3A_121 = arith.addf %add3A_115, %mul3A_120 : vector<16xf32>
    %get3A_122 = arith.constant 1 : i32
    %get3A_123 = arith.index_cast %get3A_122 : i32 to index
    %get3A_124 = arith.constant 48 : index
    %get3A_125 = tpu.vector_load %arg7[%get3A_123, %get3A_124] {strides = array<i32>} : memref<4x64xf32, #tpu.memory_space<vmem>>, vector<16xf32>,
    %mul3A_126 = arith.mulf %scan3A_97#3, %get3A_125 : vector<16xf32>
    %add3A_127 = arith.addf %add3A_121, %mul3A_126 : vector<16xf32>
    %reduce_sum3A_128 = arith.constant true
    %reduce_sum3A_129 = vector.broadcast %reduce_sum3A_128 : i1 to vector<16xi1>
    %reduce_sum3A_130 = tpu.scan <sum>, %add3A_127 masked %reduce_sum3A_129 : vector<16xf32>, vector<16xi1> -> vector<16xf32>
    %reduce_sum3A_131 = vector.extract %reduce_sum3A_130[15] : f32 from vector<16xf32>
    %eq3A_132 = arith.constant 1 : i32
    %eq3A_133 = vector.broadcast %eq3A_132 : i32 to vector<16xi32>
    %eq3A_134 = arith.cmpi eq, %iota3A, %eq3A_133 : vector<16xi32>
    %broadcast_in_dim3A_135 = vector.broadcast %reduce_sum3A_131 : f32 to vector<16xf32>
    %select_n3A_136 = arith.select %eq3A_134, %broadcast_in_dim3A_135, %select_n3A : vector<16xi1>, vector<16xf32>
    %dma_wait3A_137 = arith.constant 0 : i32
    %dma_wait3A_138 = tpu.memref_slice %arg2[%add3A_78, %dma_wait3A_137] : memref<128x32768xf32, #tpu.memory_space<hbm>> -> memref<1x32768xf32, #tpu.memory_space<hbm>>
    %dma_wait3A_139 = tpu.memref_squeeze %dma_wait3A_138 : memref<1x32768xf32, #tpu.memory_space<hbm>> -> memref<32768xf32, #tpu.memory_space<hbm>>
    %dma_wait3A_140 = arith.constant 0 : i32
    %dma_wait3A_141 = tpu.memref_slice %arg2[%add3A_78, %dma_wait3A_140] : memref<128x32768xf32, #tpu.memory_space<hbm>> -> memref<1x32768xf32, #tpu.memory_space<hbm>>
    %dma_wait3A_142 = tpu.memref_squeeze %dma_wait3A_141 : memref<1x32768xf32, #tpu.memory_space<hbm>> -> memref<32768xf32, #tpu.memory_space<hbm>>
    tpu.wait_dma2 semaphore(%arg9 : memref<!tpu.dma_semaphore, #tpu.memory_space<semaphore_mem>>) src(%dma_wait3A_142 : memref<32768xf32, #tpu.memory_space<hbm>>) dst(%arg5 : memref<32768xf32, #tpu.memory_space<vmem>>)
    %add3A_143 = arith.constant 2 : i32
    %add3A_144 = arith.addi %mul3A_2, %add3A_143 : i32
    %add3A_145 = arith.constant 1 : i32
    %add3A_146 = arith.addi %add3A_144, %add3A_145 : i32
    %dma_start3A_147 = arith.constant 0 : i32
    %dma_start3A_148 = tpu.memref_slice %arg2[%add3A_146, %dma_start3A_147] : memref<128x32768xf32, #tpu.memory_space<hbm>> -> memref<1x32768xf32, #tpu.memory_space<hbm>>
    %dma_start3A_149 = tpu.memref_squeeze %dma_start3A_148 : memref<1x32768xf32, #tpu.memory_space<hbm>> -> memref<32768xf32, #tpu.memory_space<hbm>>
    %dma_start3A_150 = arith.constant 0 : i32
    %dma_start3A_151 = tpu.memref_slice %arg2[%add3A_146, %dma_start3A_150] : memref<128x32768xf32, #tpu.memory_space<hbm>> -> memref<1x32768xf32, #tpu.memory_space<hbm>>
    %dma_start3A_152 = tpu.memref_squeeze %dma_start3A_151 : memref<1x32768xf32, #tpu.memory_space<hbm>> -> memref<32768xf32, #tpu.memory_space<hbm>>
    tpu.enqueue_dma source(%dma_start3A_152 : memref<32768xf32, #tpu.memory_space<hbm>>) target(%arg6 : memref<32768xf32, #tpu.memory_space<vmem>>) target_semaphore(%arg10 : memref<!tpu.dma_semaphore, #tpu.memory_space<semaphore_mem>>)
    %broadcast_in_dim3A_153 = arith.constant 0xFF800000 : f32
    %broadcast_in_dim3A_154 = vector.broadcast %broadcast_in_dim3A_153 : f32 to vector<16xf32>
    %broadcast_in_dim3A_155 = arith.constant 0xFF800000 : f32
    %broadcast_in_dim3A_156 = vector.broadcast %broadcast_in_dim3A_155 : f32 to vector<16xf32>
    %broadcast_in_dim3A_157 = arith.constant 0xFF800000 : f32
    %broadcast_in_dim3A_158 = vector.broadcast %broadcast_in_dim3A_157 : f32 to vector<16xf32>
    %broadcast_in_dim3A_159 = arith.constant 0xFF800000 : f32
    %broadcast_in_dim3A_160 = vector.broadcast %broadcast_in_dim3A_159 : f32 to vector<16xf32>
    %scan3A_161 = arith.constant 0 : i32
    %scan3A_162 = arith.constant 512 : i32
    %scan3A_163 = arith.addi %scan3A_161, %scan3A_162 : i32
    %scan3A_164 = arith.constant 1 : i32
    %scan3A_165:4 = scf.for %scan3A_264 = %scan3A_161 to %scan3A_163 step %scan3A_164 iter_args(%scan3A_265 = %broadcast_in_dim3A_154, %scan3A_266 = %broadcast_in_dim3A_156, %scan3A_267 = %broadcast_in_dim3A_158, %scan3A_268 = %broadcast_in_dim3A_160) -> (vector<16xf32>, vector<16xf32>, vector<16xf32>, vector<16xf32>)  : i32 {
      %mul3A_269 = arith.constant 64 : i32
      %mul3A_270 = arith.muli %scan3A_264, %mul3A_269 : i32
      %get3A_271 = arith.index_cast %mul3A_270 : i32 to index
      %get3A_272 = tpu.vector_load %arg5[%get3A_271] {strides = array<i32>} : memref<32768xf32, #tpu.memory_space<vmem>>, vector<16xf32>,
      %add3A_273 = arith.constant 16 : i32
      %add3A_274 = arith.addi %mul3A_270, %add3A_273 : i32
      %get3A_275 = arith.index_cast %add3A_274 : i32 to index
      %get3A_276 = tpu.vector_load %arg5[%get3A_275] {strides = array<i32>} : memref<32768xf32, #tpu.memory_space<vmem>>, vector<16xf32>,
      %add3A_277 = arith.constant 32 : i32
      %add3A_278 = arith.addi %mul3A_270, %add3A_277 : i32
      %get3A_279 = arith.index_cast %add3A_278 : i32 to index
      %get3A_280 = tpu.vector_load %arg5[%get3A_279] {strides = array<i32>} : memref<32768xf32, #tpu.memory_space<vmem>>, vector<16xf32>,
      %add3A_281 = arith.constant 48 : i32
      %add3A_282 = arith.addi %mul3A_270, %add3A_281 : i32
      %get3A_283 = arith.index_cast %add3A_282 : i32 to index
      %get3A_284 = tpu.vector_load %arg5[%get3A_283] {strides = array<i32>} : memref<32768xf32, #tpu.memory_space<vmem>>, vector<16xf32>,
      %masked_sort3A = arith.constant dense<true> : vector<16xi1>
      %masked_sort3A_285, %masked_sort3A_286, %masked_sort3A_287 = tpu.sort %get3A_272, %get3A_272 masked %masked_sort3A : (vector<16xf32>, vector<16xf32>, vector<16xi1>) -> (vector<16xi1>, vector<16xf32>, vector<16xf32>)
      %masked_sort3A_288 = arith.constant dense<true> : vector<16xi1>
      %masked_sort3A_289, %masked_sort3A_290, %masked_sort3A_291 = tpu.sort %get3A_276, %get3A_276 masked %masked_sort3A_288 : (vector<16xf32>, vector<16xf32>, vector<16xi1>) -> (vector<16xi1>, vector<16xf32>, vector<16xf32>)
      %masked_sort3A_292 = arith.constant dense<true> : vector<16xi1>
      %masked_sort3A_293, %masked_sort3A_294, %masked_sort3A_295 = tpu.sort %get3A_280, %get3A_280 masked %masked_sort3A_292 : (vector<16xf32>, vector<16xf32>, vector<16xi1>) -> (vector<16xi1>, vector<16xf32>, vector<16xf32>)
      %masked_sort3A_296 = arith.constant dense<true> : vector<16xi1>
      %masked_sort3A_297, %masked_sort3A_298, %masked_sort3A_299 = tpu.sort %get3A_284, %get3A_284 masked %masked_sort3A_296 : (vector<16xf32>, vector<16xf32>, vector<16xi1>) -> (vector<16xi1>, vector<16xf32>, vector<16xf32>)
      %rev3A = arith.constant 15 : i32
      %rev3A_300 = vector.broadcast %rev3A : i32 to vector<16xi32>
      %rev3A_301 = tpu.iota {dimensions = array<i32: 0>} : vector<16xi32>
      %rev3A_302 = arith.subi %rev3A_300, %rev3A_301 : vector<16xi32>
      %rev3A_303 = tpu.dynamic_gather %masked_sort3A_290[%rev3A_302] in [0] : vector<16xf32>, vector<16xi32> -> vector<16xf32>
      %max3A = arith.maximumf %masked_sort3A_286, %rev3A_303 : vector<16xf32>
      %masked_sort3A_304 = arith.constant dense<true> : vector<16xi1>
      %masked_sort3A_305, %masked_sort3A_306, %masked_sort3A_307 = tpu.sort %max3A, %max3A masked %masked_sort3A_304 {descending = true} : (vector<16xf32>, vector<16xf32>, vector<16xi1>) -> (vector<16xi1>, vector<16xf32>, vector<16xf32>)
      %rev3A_308 = arith.constant 15 : i32
      %rev3A_309 = vector.broadcast %rev3A_308 : i32 to vector<16xi32>
      %rev3A_310 = tpu.iota {dimensions = array<i32: 0>} : vector<16xi32>
      %rev3A_311 = arith.subi %rev3A_309, %rev3A_310 : vector<16xi32>
      %rev3A_312 = tpu.dynamic_gather %masked_sort3A_290[%rev3A_311] in [0] : vector<16xf32>, vector<16xi32> -> vector<16xf32>
      %min3A = arith.minimumf %masked_sort3A_286, %rev3A_312 : vector<16xf32>
      %masked_sort3A_313 = arith.constant dense<true> : vector<16xi1>
      %masked_sort3A_314, %masked_sort3A_315, %masked_sort3A_316 = tpu.sort %min3A, %min3A masked %masked_sort3A_313 {descending = true} : (vector<16xf32>, vector<16xf32>, vector<16xi1>) -> (vector<16xi1>, vector<16xf32>, vector<16xf32>)
      %rev3A_317 = arith.constant 15 : i32
      %rev3A_318 = vector.broadcast %rev3A_317 : i32 to vector<16xi32>
      %rev3A_319 = tpu.iota {dimensions = array<i32: 0>} : vector<16xi32>
      %rev3A_320 = arith.subi %rev3A_318, %rev3A_319 : vector<16xi32>
      %rev3A_321 = tpu.dynamic_gather %masked_sort3A_298[%rev3A_320] in [0] : vector<16xf32>, vector<16xi32> -> vector<16xf32>
      %max3A_322 = arith.maximumf %masked_sort3A_294, %rev3A_321 : vector<16xf32>
      %masked_sort3A_323 = arith.constant dense<true> : vector<16xi1>
      %masked_sort3A_324, %masked_sort3A_325, %masked_sort3A_326 = tpu.sort %max3A_322, %max3A_322 masked %masked_sort3A_323 {descending = true} : (vector<16xf32>, vector<16xf32>, vector<16xi1>) -> (vector<16xi1>, vector<16xf32>, vector<16xf32>)
      %rev3A_327 = arith.constant 15 : i32
      %rev3A_328 = vector.broadcast %rev3A_327 : i32 to vector<16xi32>
      %rev3A_329 = tpu.iota {dimensions = array<i32: 0>} : vector<16xi32>
      %rev3A_330 = arith.subi %rev3A_328, %rev3A_329 : vector<16xi32>
      %rev3A_331 = tpu.dynamic_gather %masked_sort3A_298[%rev3A_330] in [0] : vector<16xf32>, vector<16xi32> -> vector<16xf32>
      %min3A_332 = arith.minimumf %masked_sort3A_294, %rev3A_331 : vector<16xf32>
      %masked_sort3A_333 = arith.constant dense<true> : vector<16xi1>
      %masked_sort3A_334, %masked_sort3A_335, %masked_sort3A_336 = tpu.sort %min3A_332, %min3A_332 masked %masked_sort3A_333 {descending = true} : (vector<16xf32>, vector<16xf32>, vector<16xi1>) -> (vector<16xi1>, vector<16xf32>, vector<16xf32>)
      %rev3A_337 = arith.constant 15 : i32
      %rev3A_338 = vector.broadcast %rev3A_337 : i32 to vector<16xi32>
      %rev3A_339 = tpu.iota {dimensions = array<i32: 0>} : vector<16xi32>
      %rev3A_340 = arith.subi %rev3A_338, %rev3A_339 : vector<16xi32>
      %rev3A_341 = tpu.dynamic_gather %masked_sort3A_335[%rev3A_340] in [0] : vector<16xf32>, vector<16xi32> -> vector<16xf32>
      %rev3A_342 = arith.constant 15 : i32
      %rev3A_343 = vector.broadcast %rev3A_342 : i32 to vector<16xi32>
      %rev3A_344 = tpu.iota {dimensions = array<i32: 0>} : vector<16xi32>
      %rev3A_345 = arith.subi %rev3A_343, %rev3A_344 : vector<16xi32>
      %rev3A_346 = tpu.dynamic_gather %masked_sort3A_325[%rev3A_345] in [0] : vector<16xf32>, vector<16xi32> -> vector<16xf32>
      %max3A_347 = arith.maximumf %masked_sort3A_306, %rev3A_341 : vector<16xf32>
      %max3A_348 = arith.maximumf %masked_sort3A_315, %rev3A_346 : vector<16xf32>
      %min3A_349 = arith.minimumf %masked_sort3A_306, %rev3A_341 : vector<16xf32>
      %min3A_350 = arith.minimumf %masked_sort3A_315, %rev3A_346 : vector<16xf32>
      %max3A_351 = arith.maximumf %max3A_347, %max3A_348 : vector<16xf32>
      %masked_sort3A_352 = arith.constant dense<true> : vector<16xi1>
      %masked_sort3A_353, %masked_sort3A_354, %masked_sort3A_355 = tpu.sort %max3A_351, %max3A_351 masked %masked_sort3A_352 {descending = true} : (vector<16xf32>, vector<16xf32>, vector<16xi1>) -> (vector<16xi1>, vector<16xf32>, vector<16xf32>)
      %min3A_356 = arith.minimumf %max3A_347, %max3A_348 : vector<16xf32>
      %masked_sort3A_357 = arith.constant dense<true> : vector<16xi1>
      %masked_sort3A_358, %masked_sort3A_359, %masked_sort3A_360 = tpu.sort %min3A_356, %min3A_356 masked %masked_sort3A_357 {descending = true} : (vector<16xf32>, vector<16xf32>, vector<16xi1>) -> (vector<16xi1>, vector<16xf32>, vector<16xf32>)
      %max3A_361 = arith.maximumf %min3A_349, %min3A_350 : vector<16xf32>
      %masked_sort3A_362 = arith.constant dense<true> : vector<16xi1>
      %masked_sort3A_363, %masked_sort3A_364, %masked_sort3A_365 = tpu.sort %max3A_361, %max3A_361 masked %masked_sort3A_362 {descending = true} : (vector<16xf32>, vector<16xf32>, vector<16xi1>) -> (vector<16xi1>, vector<16xf32>, vector<16xf32>)
      %min3A_366 = arith.minimumf %min3A_349, %min3A_350 : vector<16xf32>
      %masked_sort3A_367 = arith.constant dense<true> : vector<16xi1>
      %masked_sort3A_368, %masked_sort3A_369, %masked_sort3A_370 = tpu.sort %min3A_366, %min3A_366 masked %masked_sort3A_367 {descending = true} : (vector<16xf32>, vector<16xf32>, vector<16xi1>) -> (vector<16xi1>, vector<16xf32>, vector<16xf32>)
      %rev3A_371 = arith.constant 15 : i32
      %rev3A_372 = vector.broadcast %rev3A_371 : i32 to vector<16xi32>
      %rev3A_373 = tpu.iota {dimensions = array<i32: 0>} : vector<16xi32>
      %rev3A_374 = arith.subi %rev3A_372, %rev3A_373 : vector<16xi32>
      %rev3A_375 = tpu.dynamic_gather %masked_sort3A_369[%rev3A_374] in [0] : vector<16xf32>, vector<16xi32> -> vector<16xf32>
      %max3A_376 = arith.maximumf %scan3A_265, %rev3A_375 : vector<16xf32>
      %rev3A_377 = arith.constant 15 : i32
      %rev3A_378 = vector.broadcast %rev3A_377 : i32 to vector<16xi32>
      %rev3A_379 = tpu.iota {dimensions = array<i32: 0>} : vector<16xi32>
      %rev3A_380 = arith.subi %rev3A_378, %rev3A_379 : vector<16xi32>
      %rev3A_381 = tpu.dynamic_gather %masked_sort3A_364[%rev3A_380] in [0] : vector<16xf32>, vector<16xi32> -> vector<16xf32>
      %max3A_382 = arith.maximumf %scan3A_266, %rev3A_381 : vector<16xf32>
      %rev3A_383 = arith.constant 15 : i32
      %rev3A_384 = vector.broadcast %rev3A_383 : i32 to vector<16xi32>
      %rev3A_385 = tpu.iota {dimensions = array<i32: 0>} : vector<16xi32>
      %rev3A_386 = arith.subi %rev3A_384, %rev3A_385 : vector<16xi32>
      %rev3A_387 = tpu.dynamic_gather %masked_sort3A_359[%rev3A_386] in [0] : vector<16xf32>, vector<16xi32> -> vector<16xf32>
      %max3A_388 = arith.maximumf %scan3A_267, %rev3A_387 : vector<16xf32>
      %rev3A_389 = arith.constant 15 : i32
      %rev3A_390 = vector.broadcast %rev3A_389 : i32 to vector<16xi32>
      %rev3A_391 = tpu.iota {dimensions = array<i32: 0>} : vector<16xi32>
      %rev3A_392 = arith.subi %rev3A_390, %rev3A_391 : vector<16xi32>
      %rev3A_393 = tpu.dynamic_gather %masked_sort3A_354[%rev3A_392] in [0] : vector<16xf32>, vector<16xi32> -> vector<16xf32>
      %max3A_394 = arith.maximumf %scan3A_268, %rev3A_393 : vector<16xf32>
      %max3A_395 = arith.maximumf %max3A_376, %max3A_388 : vector<16xf32>
      %min3A_396 = arith.minimumf %max3A_376, %max3A_388 : vector<16xf32>
      %max3A_397 = arith.maximumf %max3A_382, %max3A_394 : vector<16xf32>
      %min3A_398 = arith.minimumf %max3A_382, %max3A_394 : vector<16xf32>
      %max3A_399 = arith.maximumf %max3A_395, %max3A_397 : vector<16xf32>
      %masked_sort3A_400 = arith.constant dense<true> : vector<16xi1>
      %masked_sort3A_401, %masked_sort3A_402, %masked_sort3A_403 = tpu.sort %max3A_399, %max3A_399 masked %masked_sort3A_400 {descending = true} : (vector<16xf32>, vector<16xf32>, vector<16xi1>) -> (vector<16xi1>, vector<16xf32>, vector<16xf32>)
      %min3A_404 = arith.minimumf %max3A_395, %max3A_397 : vector<16xf32>
      %masked_sort3A_405 = arith.constant dense<true> : vector<16xi1>
      %masked_sort3A_406, %masked_sort3A_407, %masked_sort3A_408 = tpu.sort %min3A_404, %min3A_404 masked %masked_sort3A_405 {descending = true} : (vector<16xf32>, vector<16xf32>, vector<16xi1>) -> (vector<16xi1>, vector<16xf32>, vector<16xf32>)
      %max3A_409 = arith.maximumf %min3A_396, %min3A_398 : vector<16xf32>
      %masked_sort3A_410 = arith.constant dense<true> : vector<16xi1>
      %masked_sort3A_411, %masked_sort3A_412, %masked_sort3A_413 = tpu.sort %max3A_409, %max3A_409 masked %masked_sort3A_410 {descending = true} : (vector<16xf32>, vector<16xf32>, vector<16xi1>) -> (vector<16xi1>, vector<16xf32>, vector<16xf32>)
      %min3A_414 = arith.minimumf %min3A_396, %min3A_398 : vector<16xf32>
      %masked_sort3A_415 = arith.constant dense<true> : vector<16xi1>
      %masked_sort3A_416, %masked_sort3A_417, %masked_sort3A_418 = tpu.sort %min3A_414, %min3A_414 masked %masked_sort3A_415 {descending = true} : (vector<16xf32>, vector<16xf32>, vector<16xi1>) -> (vector<16xi1>, vector<16xf32>, vector<16xf32>)
      scf.yield %masked_sort3A_402, %masked_sort3A_407, %masked_sort3A_412, %masked_sort3A_417 : vector<16xf32>, vector<16xf32>, vector<16xf32>, vector<16xf32>
    }
    %scan3A_166 = arith.constant 512 : i32
    %slice3A_167 = vector.extract_strided_slice %scan3A_165#3 {offsets = [15], sizes = [1], strides = [1]} : vector<16xf32> to vector<1xf32>
    %squeeze3A_168 = vector.extract %slice3A_167[0] : f32 from vector<1xf32>
    %scan3A_169 = arith.constant 128 : i32
    %scan3A_170 = arith.constant 0 : i32
    %scan3A_171 = arith.addi %scan3A_169, %scan3A_170 : i32
    %scan3A_172 = arith.constant 0 : i32
    %get3A_173 = arith.constant 2 : i32
    %get3A_174 = arith.index_cast %get3A_173 : i32 to index
    %get3A_175 = arith.constant 0 : index
    %get3A_176 = tpu.vector_load %arg7[%get3A_174, %get3A_175] {strides = array<i32>} : memref<4x64xf32, #tpu.memory_space<vmem>>, vector<16xf32>,
    %mul3A_177 = arith.mulf %scan3A_165#0, %get3A_176 : vector<16xf32>
    %get3A_178 = arith.constant 2 : i32
    %get3A_179 = arith.index_cast %get3A_178 : i32 to index
    %get3A_180 = arith.constant 16 : index
    %get3A_181 = tpu.vector_load %arg7[%get3A_179, %get3A_180] {strides = array<i32>} : memref<4x64xf32, #tpu.memory_space<vmem>>, vector<16xf32>,
    %mul3A_182 = arith.mulf %scan3A_165#1, %get3A_181 : vector<16xf32>
    %add3A_183 = arith.addf %mul3A_177, %mul3A_182 : vector<16xf32>
    %get3A_184 = arith.constant 2 : i32
    %get3A_185 = arith.index_cast %get3A_184 : i32 to index
    %get3A_186 = arith.constant 32 : index
    %get3A_187 = tpu.vector_load %arg7[%get3A_185, %get3A_186] {strides = array<i32>} : memref<4x64xf32, #tpu.memory_space<vmem>>, vector<16xf32>,
    %mul3A_188 = arith.mulf %scan3A_165#2, %get3A_187 : vector<16xf32>
    %add3A_189 = arith.addf %add3A_183, %mul3A_188 : vector<16xf32>
    %get3A_190 = arith.constant 2 : i32
    %get3A_191 = arith.index_cast %get3A_190 : i32 to index
    %get3A_192 = arith.constant 48 : index
    %get3A_193 = tpu.vector_load %arg7[%get3A_191, %get3A_192] {strides = array<i32>} : memref<4x64xf32, #tpu.memory_space<vmem>>, vector<16xf32>,
    %mul3A_194 = arith.mulf %scan3A_165#3, %get3A_193 : vector<16xf32>
    %add3A_195 = arith.addf %add3A_189, %mul3A_194 : vector<16xf32>
    %reduce_sum3A_196 = arith.constant true
    %reduce_sum3A_197 = vector.broadcast %reduce_sum3A_196 : i1 to vector<16xi1>
    %reduce_sum3A_198 = tpu.scan <sum>, %add3A_195 masked %reduce_sum3A_197 : vector<16xf32>, vector<16xi1> -> vector<16xf32>
    %reduce_sum3A_199 = vector.extract %reduce_sum3A_198[15] : f32 from vector<16xf32>
    %eq3A_200 = arith.constant 2 : i32
    %eq3A_201 = vector.broadcast %eq3A_200 : i32 to vector<16xi32>
    %eq3A_202 = arith.cmpi eq, %iota3A, %eq3A_201 : vector<16xi32>
    %broadcast_in_dim3A_203 = vector.broadcast %reduce_sum3A_199 : f32 to vector<16xf32>
    %select_n3A_204 = arith.select %eq3A_202, %broadcast_in_dim3A_203, %select_n3A_136 : vector<16xi1>, vector<16xf32>
    %dma_wait3A_205 = arith.constant 0 : i32
    %dma_wait3A_206 = tpu.memref_slice %arg2[%add3A_146, %dma_wait3A_205] : memref<128x32768xf32, #tpu.memory_space<hbm>> -> memref<1x32768xf32, #tpu.memory_space<hbm>>
    %dma_wait3A_207 = tpu.memref_squeeze %dma_wait3A_206 : memref<1x32768xf32, #tpu.memory_space<hbm>> -> memref<32768xf32, #tpu.memory_space<hbm>>
    %dma_wait3A_208 = arith.constant 0 : i32
    %dma_wait3A_209 = tpu.memref_slice %arg2[%add3A_146, %dma_wait3A_208] : memref<128x32768xf32, #tpu.memory_space<hbm>> -> memref<1x32768xf32, #tpu.memory_space<hbm>>
    %dma_wait3A_210 = tpu.memref_squeeze %dma_wait3A_209 : memref<1x32768xf32, #tpu.memory_space<hbm>> -> memref<32768xf32, #tpu.memory_space<hbm>>
    tpu.wait_dma2 semaphore(%arg10 : memref<!tpu.dma_semaphore, #tpu.memory_space<semaphore_mem>>) src(%dma_wait3A_210 : memref<32768xf32, #tpu.memory_space<hbm>>) dst(%arg6 : memref<32768xf32, #tpu.memory_space<vmem>>)
    %broadcast_in_dim3A_211 = arith.constant 0xFF800000 : f32
    %broadcast_in_dim3A_212 = vector.broadcast %broadcast_in_dim3A_211 : f32 to vector<16xf32>
    %broadcast_in_dim3A_213 = arith.constant 0xFF800000 : f32
    %broadcast_in_dim3A_214 = vector.broadcast %broadcast_in_dim3A_213 : f32 to vector<16xf32>
    %broadcast_in_dim3A_215 = arith.constant 0xFF800000 : f32
    %broadcast_in_dim3A_216 = vector.broadcast %broadcast_in_dim3A_215 : f32 to vector<16xf32>
    %broadcast_in_dim3A_217 = arith.constant 0xFF800000 : f32
    %broadcast_in_dim3A_218 = vector.broadcast %broadcast_in_dim3A_217 : f32 to vector<16xf32>
    %scan3A_219 = arith.constant 0 : i32
    %scan3A_220 = arith.constant 512 : i32
    %scan3A_221 = arith.addi %scan3A_219, %scan3A_220 : i32
    %scan3A_222 = arith.constant 1 : i32
    %scan3A_223:4 = scf.for %scan3A_264 = %scan3A_219 to %scan3A_221 step %scan3A_222 iter_args(%scan3A_265 = %broadcast_in_dim3A_212, %scan3A_266 = %broadcast_in_dim3A_214, %scan3A_267 = %broadcast_in_dim3A_216, %scan3A_268 = %broadcast_in_dim3A_218) -> (vector<16xf32>, vector<16xf32>, vector<16xf32>, vector<16xf32>)  : i32 {
      %mul3A_269 = arith.constant 64 : i32
      %mul3A_270 = arith.muli %scan3A_264, %mul3A_269 : i32
      %get3A_271 = arith.index_cast %mul3A_270 : i32 to index
      %get3A_272 = tpu.vector_load %arg6[%get3A_271] {strides = array<i32>} : memref<32768xf32, #tpu.memory_space<vmem>>, vector<16xf32>,
      %add3A_273 = arith.constant 16 : i32
      %add3A_274 = arith.addi %mul3A_270, %add3A_273 : i32
      %get3A_275 = arith.index_cast %add3A_274 : i32 to index
      %get3A_276 = tpu.vector_load %arg6[%get3A_275] {strides = array<i32>} : memref<32768xf32, #tpu.memory_space<vmem>>, vector<16xf32>,
      %add3A_277 = arith.constant 32 : i32
      %add3A_278 = arith.addi %mul3A_270, %add3A_277 : i32
      %get3A_279 = arith.index_cast %add3A_278 : i32 to index
      %get3A_280 = tpu.vector_load %arg6[%get3A_279] {strides = array<i32>} : memref<32768xf32, #tpu.memory_space<vmem>>, vector<16xf32>,
      %add3A_281 = arith.constant 48 : i32
      %add3A_282 = arith.addi %mul3A_270, %add3A_281 : i32
      %get3A_283 = arith.index_cast %add3A_282 : i32 to index
      %get3A_284 = tpu.vector_load %arg6[%get3A_283] {strides = array<i32>} : memref<32768xf32, #tpu.memory_space<vmem>>, vector<16xf32>,
      %masked_sort3A = arith.constant dense<true> : vector<16xi1>
      %masked_sort3A_285, %masked_sort3A_286, %masked_sort3A_287 = tpu.sort %get3A_272, %get3A_272 masked %masked_sort3A : (vector<16xf32>, vector<16xf32>, vector<16xi1>) -> (vector<16xi1>, vector<16xf32>, vector<16xf32>)
      %masked_sort3A_288 = arith.constant dense<true> : vector<16xi1>
      %masked_sort3A_289, %masked_sort3A_290, %masked_sort3A_291 = tpu.sort %get3A_276, %get3A_276 masked %masked_sort3A_288 : (vector<16xf32>, vector<16xf32>, vector<16xi1>) -> (vector<16xi1>, vector<16xf32>, vector<16xf32>)
      %masked_sort3A_292 = arith.constant dense<true> : vector<16xi1>
      %masked_sort3A_293, %masked_sort3A_294, %masked_sort3A_295 = tpu.sort %get3A_280, %get3A_280 masked %masked_sort3A_292 : (vector<16xf32>, vector<16xf32>, vector<16xi1>) -> (vector<16xi1>, vector<16xf32>, vector<16xf32>)
      %masked_sort3A_296 = arith.constant dense<true> : vector<16xi1>
      %masked_sort3A_297, %masked_sort3A_298, %masked_sort3A_299 = tpu.sort %get3A_284, %get3A_284 masked %masked_sort3A_296 : (vector<16xf32>, vector<16xf32>, vector<16xi1>) -> (vector<16xi1>, vector<16xf32>, vector<16xf32>)
      %rev3A = arith.constant 15 : i32
      %rev3A_300 = vector.broadcast %rev3A : i32 to vector<16xi32>
      %rev3A_301 = tpu.iota {dimensions = array<i32: 0>} : vector<16xi32>
      %rev3A_302 = arith.subi %rev3A_300, %rev3A_301 : vector<16xi32>
      %rev3A_303 = tpu.dynamic_gather %masked_sort3A_290[%rev3A_302] in [0] : vector<16xf32>, vector<16xi32> -> vector<16xf32>
      %max3A = arith.maximumf %masked_sort3A_286, %rev3A_303 : vector<16xf32>
      %masked_sort3A_304 = arith.constant dense<true> : vector<16xi1>
      %masked_sort3A_305, %masked_sort3A_306, %masked_sort3A_307 = tpu.sort %max3A, %max3A masked %masked_sort3A_304 {descending = true} : (vector<16xf32>, vector<16xf32>, vector<16xi1>) -> (vector<16xi1>, vector<16xf32>, vector<16xf32>)
      %rev3A_308 = arith.constant 15 : i32
      %rev3A_309 = vector.broadcast %rev3A_308 : i32 to vector<16xi32>
      %rev3A_310 = tpu.iota {dimensions = array<i32: 0>} : vector<16xi32>
      %rev3A_311 = arith.subi %rev3A_309, %rev3A_310 : vector<16xi32>
      %rev3A_312 = tpu.dynamic_gather %masked_sort3A_290[%rev3A_311] in [0] : vector<16xf32>, vector<16xi32> -> vector<16xf32>
      %min3A = arith.minimumf %masked_sort3A_286, %rev3A_312 : vector<16xf32>
      %masked_sort3A_313 = arith.constant dense<true> : vector<16xi1>
      %masked_sort3A_314, %masked_sort3A_315, %masked_sort3A_316 = tpu.sort %min3A, %min3A masked %masked_sort3A_313 {descending = true} : (vector<16xf32>, vector<16xf32>, vector<16xi1>) -> (vector<16xi1>, vector<16xf32>, vector<16xf32>)
      %rev3A_317 = arith.constant 15 : i32
      %rev3A_318 = vector.broadcast %rev3A_317 : i32 to vector<16xi32>
      %rev3A_319 = tpu.iota {dimensions = array<i32: 0>} : vector<16xi32>
      %rev3A_320 = arith.subi %rev3A_318, %rev3A_319 : vector<16xi32>
      %rev3A_321 = tpu.dynamic_gather %masked_sort3A_298[%rev3A_320] in [0] : vector<16xf32>, vector<16xi32> -> vector<16xf32>
      %max3A_322 = arith.maximumf %masked_sort3A_294, %rev3A_321 : vector<16xf32>
      %masked_sort3A_323 = arith.constant dense<true> : vector<16xi1>
      %masked_sort3A_324, %masked_sort3A_325, %masked_sort3A_326 = tpu.sort %max3A_322, %max3A_322 masked %masked_sort3A_323 {descending = true} : (vector<16xf32>, vector<16xf32>, vector<16xi1>) -> (vector<16xi1>, vector<16xf32>, vector<16xf32>)
      %rev3A_327 = arith.constant 15 : i32
      %rev3A_328 = vector.broadcast %rev3A_327 : i32 to vector<16xi32>
      %rev3A_329 = tpu.iota {dimensions = array<i32: 0>} : vector<16xi32>
      %rev3A_330 = arith.subi %rev3A_328, %rev3A_329 : vector<16xi32>
      %rev3A_331 = tpu.dynamic_gather %masked_sort3A_298[%rev3A_330] in [0] : vector<16xf32>, vector<16xi32> -> vector<16xf32>
      %min3A_332 = arith.minimumf %masked_sort3A_294, %rev3A_331 : vector<16xf32>
      %masked_sort3A_333 = arith.constant dense<true> : vector<16xi1>
      %masked_sort3A_334, %masked_sort3A_335, %masked_sort3A_336 = tpu.sort %min3A_332, %min3A_332 masked %masked_sort3A_333 {descending = true} : (vector<16xf32>, vector<16xf32>, vector<16xi1>) -> (vector<16xi1>, vector<16xf32>, vector<16xf32>)
      %rev3A_337 = arith.constant 15 : i32
      %rev3A_338 = vector.broadcast %rev3A_337 : i32 to vector<16xi32>
      %rev3A_339 = tpu.iota {dimensions = array<i32: 0>} : vector<16xi32>
      %rev3A_340 = arith.subi %rev3A_338, %rev3A_339 : vector<16xi32>
      %rev3A_341 = tpu.dynamic_gather %masked_sort3A_335[%rev3A_340] in [0] : vector<16xf32>, vector<16xi32> -> vector<16xf32>
      %rev3A_342 = arith.constant 15 : i32
      %rev3A_343 = vector.broadcast %rev3A_342 : i32 to vector<16xi32>
      %rev3A_344 = tpu.iota {dimensions = array<i32: 0>} : vector<16xi32>
      %rev3A_345 = arith.subi %rev3A_343, %rev3A_344 : vector<16xi32>
      %rev3A_346 = tpu.dynamic_gather %masked_sort3A_325[%rev3A_345] in [0] : vector<16xf32>, vector<16xi32> -> vector<16xf32>
      %max3A_347 = arith.maximumf %masked_sort3A_306, %rev3A_341 : vector<16xf32>
      %max3A_348 = arith.maximumf %masked_sort3A_315, %rev3A_346 : vector<16xf32>
      %min3A_349 = arith.minimumf %masked_sort3A_306, %rev3A_341 : vector<16xf32>
      %min3A_350 = arith.minimumf %masked_sort3A_315, %rev3A_346 : vector<16xf32>
      %max3A_351 = arith.maximumf %max3A_347, %max3A_348 : vector<16xf32>
      %masked_sort3A_352 = arith.constant dense<true> : vector<16xi1>
      %masked_sort3A_353, %masked_sort3A_354, %masked_sort3A_355 = tpu.sort %max3A_351, %max3A_351 masked %masked_sort3A_352 {descending = true} : (vector<16xf32>, vector<16xf32>, vector<16xi1>) -> (vector<16xi1>, vector<16xf32>, vector<16xf32>)
      %min3A_356 = arith.minimumf %max3A_347, %max3A_348 : vector<16xf32>
      %masked_sort3A_357 = arith.constant dense<true> : vector<16xi1>
      %masked_sort3A_358, %masked_sort3A_359, %masked_sort3A_360 = tpu.sort %min3A_356, %min3A_356 masked %masked_sort3A_357 {descending = true} : (vector<16xf32>, vector<16xf32>, vector<16xi1>) -> (vector<16xi1>, vector<16xf32>, vector<16xf32>)
      %max3A_361 = arith.maximumf %min3A_349, %min3A_350 : vector<16xf32>
      %masked_sort3A_362 = arith.constant dense<true> : vector<16xi1>
      %masked_sort3A_363, %masked_sort3A_364, %masked_sort3A_365 = tpu.sort %max3A_361, %max3A_361 masked %masked_sort3A_362 {descending = true} : (vector<16xf32>, vector<16xf32>, vector<16xi1>) -> (vector<16xi1>, vector<16xf32>, vector<16xf32>)
      %min3A_366 = arith.minimumf %min3A_349, %min3A_350 : vector<16xf32>
      %masked_sort3A_367 = arith.constant dense<true> : vector<16xi1>
      %masked_sort3A_368, %masked_sort3A_369, %masked_sort3A_370 = tpu.sort %min3A_366, %min3A_366 masked %masked_sort3A_367 {descending = true} : (vector<16xf32>, vector<16xf32>, vector<16xi1>) -> (vector<16xi1>, vector<16xf32>, vector<16xf32>)
      %rev3A_371 = arith.constant 15 : i32
      %rev3A_372 = vector.broadcast %rev3A_371 : i32 to vector<16xi32>
      %rev3A_373 = tpu.iota {dimensions = array<i32: 0>} : vector<16xi32>
      %rev3A_374 = arith.subi %rev3A_372, %rev3A_373 : vector<16xi32>
      %rev3A_375 = tpu.dynamic_gather %masked_sort3A_369[%rev3A_374] in [0] : vector<16xf32>, vector<16xi32> -> vector<16xf32>
      %max3A_376 = arith.maximumf %scan3A_265, %rev3A_375 : vector<16xf32>
      %rev3A_377 = arith.constant 15 : i32
      %rev3A_378 = vector.broadcast %rev3A_377 : i32 to vector<16xi32>
      %rev3A_379 = tpu.iota {dimensions = array<i32: 0>} : vector<16xi32>
      %rev3A_380 = arith.subi %rev3A_378, %rev3A_379 : vector<16xi32>
      %rev3A_381 = tpu.dynamic_gather %masked_sort3A_364[%rev3A_380] in [0] : vector<16xf32>, vector<16xi32> -> vector<16xf32>
      %max3A_382 = arith.maximumf %scan3A_266, %rev3A_381 : vector<16xf32>
      %rev3A_383 = arith.constant 15 : i32
      %rev3A_384 = vector.broadcast %rev3A_383 : i32 to vector<16xi32>
      %rev3A_385 = tpu.iota {dimensions = array<i32: 0>} : vector<16xi32>
      %rev3A_386 = arith.subi %rev3A_384, %rev3A_385 : vector<16xi32>
      %rev3A_387 = tpu.dynamic_gather %masked_sort3A_359[%rev3A_386] in [0] : vector<16xf32>, vector<16xi32> -> vector<16xf32>
      %max3A_388 = arith.maximumf %scan3A_267, %rev3A_387 : vector<16xf32>
      %rev3A_389 = arith.constant 15 : i32
      %rev3A_390 = vector.broadcast %rev3A_389 : i32 to vector<16xi32>
      %rev3A_391 = tpu.iota {dimensions = array<i32: 0>} : vector<16xi32>
      %rev3A_392 = arith.subi %rev3A_390, %rev3A_391 : vector<16xi32>
      %rev3A_393 = tpu.dynamic_gather %masked_sort3A_354[%rev3A_392] in [0] : vector<16xf32>, vector<16xi32> -> vector<16xf32>
      %max3A_394 = arith.maximumf %scan3A_268, %rev3A_393 : vector<16xf32>
      %max3A_395 = arith.maximumf %max3A_376, %max3A_388 : vector<16xf32>
      %min3A_396 = arith.minimumf %max3A_376, %max3A_388 : vector<16xf32>
      %max3A_397 = arith.maximumf %max3A_382, %max3A_394 : vector<16xf32>
      %min3A_398 = arith.minimumf %max3A_382, %max3A_394 : vector<16xf32>
      %max3A_399 = arith.maximumf %max3A_395, %max3A_397 : vector<16xf32>
      %masked_sort3A_400 = arith.constant dense<true> : vector<16xi1>
      %masked_sort3A_401, %masked_sort3A_402, %masked_sort3A_403 = tpu.sort %max3A_399, %max3A_399 masked %masked_sort3A_400 {descending = true} : (vector<16xf32>, vector<16xf32>, vector<16xi1>) -> (vector<16xi1>, vector<16xf32>, vector<16xf32>)
      %min3A_404 = arith.minimumf %max3A_395, %max3A_397 : vector<16xf32>
      %masked_sort3A_405 = arith.constant dense<true> : vector<16xi1>
      %masked_sort3A_406, %masked_sort3A_407, %masked_sort3A_408 = tpu.sort %min3A_404, %min3A_404 masked %masked_sort3A_405 {descending = true} : (vector<16xf32>, vector<16xf32>, vector<16xi1>) -> (vector<16xi1>, vector<16xf32>, vector<16xf32>)
      %max3A_409 = arith.maximumf %min3A_396, %min3A_398 : vector<16xf32>
      %masked_sort3A_410 = arith.constant dense<true> : vector<16xi1>
      %masked_sort3A_411, %masked_sort3A_412, %masked_sort3A_413 = tpu.sort %max3A_409, %max3A_409 masked %masked_sort3A_410 {descending = true} : (vector<16xf32>, vector<16xf32>, vector<16xi1>) -> (vector<16xi1>, vector<16xf32>, vector<16xf32>)
      %min3A_414 = arith.minimumf %min3A_396, %min3A_398 : vector<16xf32>
      %masked_sort3A_415 = arith.constant dense<true> : vector<16xi1>
      %masked_sort3A_416, %masked_sort3A_417, %masked_sort3A_418 = tpu.sort %min3A_414, %min3A_414 masked %masked_sort3A_415 {descending = true} : (vector<16xf32>, vector<16xf32>, vector<16xi1>) -> (vector<16xi1>, vector<16xf32>, vector<16xf32>)
      scf.yield %masked_sort3A_402, %masked_sort3A_407, %masked_sort3A_412, %masked_sort3A_417 : vector<16xf32>, vector<16xf32>, vector<16xf32>, vector<16xf32>
    }
    %scan3A_224 = arith.constant 512 : i32
    %slice3A_225 = vector.extract_strided_slice %scan3A_223#3 {offsets = [15], sizes = [1], strides = [1]} : vector<16xf32> to vector<1xf32>
    %squeeze3A_226 = vector.extract %slice3A_225[0] : f32 from vector<1xf32>
    %scan3A_227 = arith.constant 128 : i32
    %scan3A_228 = arith.constant 0 : i32
    %scan3A_229 = arith.addi %scan3A_227, %scan3A_228 : i32
    %scan3A_230 = arith.constant 0 : i32
    %get3A_231 = arith.constant 3 : i32
    %get3A_232 = arith.index_cast %get3A_231 : i32 to index
    %get3A_233 = arith.constant 0 : index
    %get3A_234 = tpu.vector_load %arg7[%get3A_232, %get3A_233] {strides = array<i32>} : memref<4x64xf32, #tpu.memory_space<vmem>>, vector<16xf32>,
    %mul3A_235 = arith.mulf %scan3A_223#0, %get3A_234 : vector<16xf32>
    %get3A_236 = arith.constant 3 : i32
    %get3A_237 = arith.index_cast %get3A_236 : i32 to index
    %get3A_238 = arith.constant 16 : index
    %get3A_239 = tpu.vector_load %arg7[%get3A_237, %get3A_238] {strides = array<i32>} : memref<4x64xf32, #tpu.memory_space<vmem>>, vector<16xf32>,
    %mul3A_240 = arith.mulf %scan3A_223#1, %get3A_239 : vector<16xf32>
    %add3A_241 = arith.addf %mul3A_235, %mul3A_240 : vector<16xf32>
    %get3A_242 = arith.constant 3 : i32
    %get3A_243 = arith.index_cast %get3A_242 : i32 to index
    %get3A_244 = arith.constant 32 : index
    %get3A_245 = tpu.vector_load %arg7[%get3A_243, %get3A_244] {strides = array<i32>} : memref<4x64xf32, #tpu.memory_space<vmem>>, vector<16xf32>,
    %mul3A_246 = arith.mulf %scan3A_223#2, %get3A_245 : vector<16xf32>
    %add3A_247 = arith.addf %add3A_241, %mul3A_246 : vector<16xf32>
    %get3A_248 = arith.constant 3 : i32
    %get3A_249 = arith.index_cast %get3A_248 : i32 to index
    %get3A_250 = arith.constant 48 : index
    %get3A_251 = tpu.vector_load %arg7[%get3A_249, %get3A_250] {strides = array<i32>} : memref<4x64xf32, #tpu.memory_space<vmem>>, vector<16xf32>,
    %mul3A_252 = arith.mulf %scan3A_223#3, %get3A_251 : vector<16xf32>
    %add3A_253 = arith.addf %add3A_247, %mul3A_252 : vector<16xf32>
    %reduce_sum3A_254 = arith.constant true
    %reduce_sum3A_255 = vector.broadcast %reduce_sum3A_254 : i1 to vector<16xi1>
    %reduce_sum3A_256 = tpu.scan <sum>, %add3A_253 masked %reduce_sum3A_255 : vector<16xf32>, vector<16xi1> -> vector<16xf32>
    %reduce_sum3A_257 = vector.extract %reduce_sum3A_256[15] : f32 from vector<16xf32>
    %eq3A_258 = arith.constant 3 : i32
    %eq3A_259 = vector.broadcast %eq3A_258 : i32 to vector<16xi32>
    %eq3A_260 = arith.cmpi eq, %iota3A, %eq3A_259 : vector<16xi32>
    %broadcast_in_dim3A_261 = vector.broadcast %reduce_sum3A_257 : f32 to vector<16xf32>
    %select_n3A_262 = arith.select %eq3A_260, %broadcast_in_dim3A_261, %select_n3A_204 : vector<16xi1>, vector<16xf32>
    %swap3A = arith.constant 0 : index
    %swap3A_263 = tpu.vector_load %arg8[%swap3A] {strides = array<i32>} : memref<16xf32, #tpu.memory_space<vmem>>, vector<16xf32>,
    tpu.vector_store %arg8[%swap3A], %select_n3A_262 {strides = array<i32>} : memref<16xf32, #tpu.memory_space<vmem>>, vector<16xf32>,
    "tpu.region"() ({
      %run_scoped3A = tpu.sem_alloc : memref<!tpu.dma_semaphore, #tpu.memory_space<semaphore_mem>>
      %dma_start3A_264 = arith.constant 0 : i32
      %dma_start3A_265 = tpu.memref_slice %arg4[%add3A, %dma_start3A_264] : memref<32x16xf32, #tpu.memory_space<hbm>> -> memref<1x16xf32, #tpu.memory_space<hbm>>
      %dma_start3A_266 = tpu.memref_squeeze %dma_start3A_265 : memref<1x16xf32, #tpu.memory_space<hbm>> -> memref<16xf32, #tpu.memory_space<hbm>>
      %dma_start3A_267 = arith.constant 0 : i32
      %dma_start3A_268 = tpu.memref_slice %arg4[%add3A, %dma_start3A_267] : memref<32x16xf32, #tpu.memory_space<hbm>> -> memref<1x16xf32, #tpu.memory_space<hbm>>
      %dma_start3A_269 = tpu.memref_squeeze %dma_start3A_268 : memref<1x16xf32, #tpu.memory_space<hbm>> -> memref<16xf32, #tpu.memory_space<hbm>>
      tpu.enqueue_dma source(%arg8 : memref<16xf32, #tpu.memory_space<vmem>>) target(%dma_start3A_269 : memref<16xf32, #tpu.memory_space<hbm>>) target_semaphore(%run_scoped3A : memref<!tpu.dma_semaphore, #tpu.memory_space<semaphore_mem>>)
      %dma_wait3A_270 = arith.constant 0 : i32
      %dma_wait3A_271 = tpu.memref_slice %arg4[%add3A, %dma_wait3A_270] : memref<32x16xf32, #tpu.memory_space<hbm>> -> memref<1x16xf32, #tpu.memory_space<hbm>>
      %dma_wait3A_272 = tpu.memref_squeeze %dma_wait3A_271 : memref<1x16xf32, #tpu.memory_space<hbm>> -> memref<16xf32, #tpu.memory_space<hbm>>
      %dma_wait3A_273 = arith.constant 0 : i32
      %dma_wait3A_274 = tpu.memref_slice %arg4[%add3A, %dma_wait3A_273] : memref<32x16xf32, #tpu.memory_space<hbm>> -> memref<1x16xf32, #tpu.memory_space<hbm>>
      %dma_wait3A_275 = tpu.memref_squeeze %dma_wait3A_274 : memref<1x16xf32, #tpu.memory_space<hbm>> -> memref<16xf32, #tpu.memory_space<hbm>>
      tpu.wait_dma2 semaphore(%run_scoped3A : memref<!tpu.dma_semaphore, #tpu.memory_space<semaphore_mem>>) src(%arg8 : memref<16xf32, #tpu.memory_space<vmem>>) dst(%dma_wait3A_275 : memref<16xf32, #tpu.memory_space<hbm>>)
      tpu.yield
    }) : () -> ()
    return
  }
}

module attributes {stable_mosaic.version = 14 : i64} {
  func.func @_logmean_body(%arg0: memref<32x16xf32, #tpu.memory_space<vmem>>, %arg1: memref<1x1xf32, #tpu.memory_space<vmem>>) attributes {dimension_semantics = [], scalar_prefetch = 0 : i64, scratch_operands = 0 : i64, tpu.core_type = #tpu.core_type<tc>} {
    %get3A = arith.constant 0 : index
    %get3A_0 = arith.constant 0 : index
    %get3A_1 = vector.load %arg0[%get3A, %get3A_0] : memref<32x16xf32, #tpu.memory_space<vmem>>, vector<32x16xf32>
    %iota3A = tpu.iota {dimensions = array<i32: 1>} : vector<32x16xi32>
    %lt3A = arith.constant 4 : i32
    %lt3A_2 = vector.broadcast %lt3A : i32 to vector<32x16xi32>
    %lt3A_3 = arith.cmpi slt, %iota3A, %lt3A_2 : vector<32x16xi32>
    %add3A = arith.constant 1.000000e-10 : f32
    %add3A_4 = vector.broadcast %add3A : f32 to vector<32x16xf32>
    %add3A_5 = arith.addf %get3A_1, %add3A_4 : vector<32x16xf32>
    %log3A = math.log %add3A_5 : vector<32x16xf32>
    %jit3A = arith.constant 0.000000e+00 : f32
    %broadcast_in_dim3A = vector.broadcast %jit3A : f32 to vector<32x16xf32>
    %select_n3A = arith.select %lt3A_3, %log3A, %broadcast_in_dim3A : vector<32x16xi1>, vector<32x16xf32>
    %reduce_sum3A = vector.shape_cast %select_n3A : vector<32x16xf32> to vector<1x32x16xf32>
    %reduce_sum3A_6 = arith.constant dense<0.000000e+00> : vector<1xf32>
    %reduce_sum3A_7 = vector.multi_reduction <add>, %reduce_sum3A, %reduce_sum3A_6 [1, 2] : vector<1x32x16xf32> to vector<1xf32>
    %reduce_sum3A_8 = vector.shape_cast %reduce_sum3A_7 : vector<1xf32> to vector<1x1x1xf32>
    %reduce_sum3A_9 = vector.extract %reduce_sum3A_8[0, 0, 0] : f32 from vector<1x1x1xf32>
    %mul3A = arith.constant 7.812500e-03 : f32
    %mul3A_10 = arith.mulf %reduce_sum3A_9, %mul3A : f32
    %broadcast_in_dim3A_11 = vector.broadcast %mul3A_10 : f32 to vector<1x1xf32>
    %swap3A = arith.constant 0 : index
    %swap3A_12 = arith.constant 0 : index
    %swap3A_13 = vector.load %arg1[%swap3A, %swap3A_12] : memref<1x1xf32, #tpu.memory_space<vmem>>, vector<1x1xf32>
    tpu.vector_store %arg1[%swap3A, %swap3A_12], %broadcast_in_dim3A_11 {strides = array<i32>} : memref<1x1xf32, #tpu.memory_space<vmem>>, vector<1x1xf32>,
    return
  }
}

</mosaic_0001>

<sc_bundles>
// kernel: kernel.4.cloned.1.call-start
scs
__scs_entry_jumppad:
0x0: {  	(pc) =	sbr.rel $0x88, $3  }
0x1: {  	(tag) =	ssettag $0x0;
	lr =	simm.s32 $0x1  }
0x2: {  	[smem:$0x3F9F] =	sst lr;
	_ =	strace $0xD0000000  }
0x3: {  	_ = 	snop  }
0x4: {  	_ = 	snop  }
0x5: {  	_ = 	snop  }
0x6: {  	_ = 	snop  }
0x7: {  	_ = 	snop  }
__scs_overlays_trampoline_lowered:
0x8: {  	[smem:$0x3FAE] =	sst s0  }
0x9: {  	[smem:$0x3FAF] =	sst s1  }
0xa: {  	[smem:$0x3FB0] =	sst s2  }
0xb: {  	[smem:$0x3FB1] =	sst s3  }
0xc: {  	[smem:$0x3FB2] =	sst s4  }
0xd: {  	[smem:$0x3FB3] =	sst s5  }
0xe: {  	[smem:$0x3FB4] =	sst s6  }
0xf: {  	[smem:$0x3FB5] =	sst s7  }
0x10: {  	[smem:$0x3FB6] =	sst s8  }
0x11: {  	[smem:$0x3FB7] =	sst s9;
	s0 =	simm.s32 @!p0 $0x0  }
0x12: {  	s1 =	sld [smem:$0x3F9D];
	s0 =	simm.s32 @p0 $0x1  }
0x13: {  	[smem:$0x3FB8] =	sst s0;
	s0 =	simm.s32 @!p1 $0x0  }
0x14: {  	s2 =	sld [smem:$0x3F9C];
	s0 =	simm.s32 @p1 $0x1  }
0x15: {  	[smem:$0x3FB9] =	sst s0;
	s0 =	simm.s32 @!p2 $0x0  }
0x16: {  	s3 =	sld [smem:$0x3FDB];
	s0 =	simm.s32 @p2 $0x1  }
0x17: {  	s4 =	simm.s32 $0x1BF5;
	[smem:$0x3FBB] =	sst s0  }
0x18: {  	s0 =	sld [smem:$0x3F9E];
	_ =	swait.ge [sflag:s4], $0x0  }
0x19: {  	s7 =	sld [smem:$0x3F9F]  }
0x1a: {  	s8 =	sadd.s32 $0xFFFFE003, lr  }
0x1b: {  	s9 =	sadd.s32 $0xFFFFFEF7, lr;
	s5 =	simm.s32 $0xFFFFFFFF;
	p2 =	slt.u32 s8, $0xFFFFF086  }
0x1c: {  	p1 =	slt.u32 s9, $0xF7A;
	s5 =	simm.s32 @!p2 $0x0  }
0x1d: {  	s5 =	simm.s32 @p1 $0x1;
	p0 =	seq.s32 s7, s2  }
0x1e: {  	s7 =	smul.u32 @!p0 $0xF7A, s2;
	p2 =	seq.s32 @!p0 s5, $0x0  }
0x1f: {  	s9 =	smul.u32 $0xF7A, s1;
	s8 =	simm.s32 @!p0 $0x1BF5;
	p2 =	por !p2, p0  }
0x20: {  	[sflag:s8] =	ssyncset.s32 @!p0 $0xFFFFF086;
	s6 =	sadd.s32 @!p0 s3, s7;
	s7 =	simm.s32 @!p0 $0x108  }
0x21: {  	s3 =	sadd.s32 s3, s9;
	s6 =	sadd.s32 @!p0 $0x88, s6;
	s7 =	simm.s32 @p2 $0x1082  }
0x22: {  	[simem:s7], [sflag:s8] =	dma.local @!p0 [hbm:s6], $0xF7A  }
0x23: {  	s9 =	sor.u32 $0xD0000000, s2;
	s6 =	simm.s32 $0x108;
	_ =	swait.ge @!p0 [sflag:s8], $0x0  }
0x24: {  	s3 =	sadd.s32 $0x88, s3;
	s6 =	simm.s32 @!p1 $0x1082;
	[sflag:s4] =	ssyncset.s32 $0xFFFFF086  }
0x25: {  	[simem:s6], [sflag:s4] =	dma.local [hbm:s3], $0xF7A  }
0x26: {  	[smem:$0x3F9F] =	sst s1;
	(tag) =	ssettag s2;
	_ =	strace s9  }
0x27: {  	s1 =	sld [smem:$0x3FAF]  }
0x28: {  	s2 =	sld [smem:$0x3FB0]  }
0x29: {  	s4 =	sld [smem:$0x3FB2]  }
0x2a: {  	p0 =	seq.s32 s5, $0x0;
	s5 =	sld [smem:$0x3FB3]  }
0x2b: {  	s6 =	sld [smem:$0x3FB4]  }
0x2c: {  	s7 =	sld [smem:$0x3FB5]  }
0x2d: {  	s3 =	simm.s32 $0x108;
	s8 =	sld [smem:$0x3FB6]  }
0x2e: {  	s3 =	simm.s32 @!p0 $0x1082;
	s9 =	sld [smem:$0x3FB7]  }
0x2f: {  	lr =	sadd.s32 s0, s3;
	s0 =	sld [smem:$0x3FAE]  }
0x30: {  	s3 =	sld [smem:$0x3FB1]  }
0x31: {  	[smem:$0x3FBA] =	sst s10  }
0x32: {  	s10 =	sld [smem:$0x3FB8];
	_ =	sdelay $0x3  }
0x33: {  	p0 =	seq.s32 s10, $0x1;
	s10 =	sld [smem:$0x3FBA];
	_ =	sdelay $0x3  }
0x34: {  	[smem:$0x3FBA] =	sst s10  }
0x35: {  	s10 =	sld [smem:$0x3FB9];
	_ =	sdelay $0x3  }
0x36: {  	p1 =	seq.s32 s10, $0x1;
	s10 =	sld [smem:$0x3FBA];
	_ =	sdelay $0x3  }
0x37: {  	[smem:$0x3FBA] =	sst s10  }
0x38: {  	s10 =	sld [smem:$0x3FBB]  }
0x39: {  	_ = 	snop;
	(pc) =	sbr.ind lr, $3  }
0x3a: {  	_ = 	snop  }
0x3b: {  	_ = 	snop  }
0x3c: {  	p2 =	seq.s32 s10, $0x1;
	s10 =	sld [smem:$0x3FBA]  }
0x3d: {  	_ =	shalt  }
0x3e: {  	_ =	shalt  }
0x3f: {  	_ =	shalt  }
0x40: {  	_ =	shalt  }
0x41: {  	_ =	shalt  }
0x42: {  	_ =	shalt  }
0x43: {  	_ =	shalt  }
0x44: {  	_ =	shalt  }
0x45: {  	_ =	shalt  }
0x46: {  	_ =	shalt  }
0x47: {  	_ =	shalt  }
0x48: {  	_ =	shalt  }
0x49: {  	_ =	shalt  }
0x4a: {  	_ =	shalt  }
0x4b: {  	_ =	shalt  }
0x4c: {  	_ =	shalt  }
0x4d: {  	_ =	shalt  }
0x4e: {  	_ =	shalt  }
0x4f: {  	_ =	shalt  }
0x50: {  	_ =	shalt  }
0x51: {  	_ =	shalt  }
0x52: {  	_ =	shalt  }
0x53: {  	_ =	shalt  }
0x54: {  	_ =	shalt  }
0x55: {  	_ =	shalt  }
0x56: {  	_ =	shalt  }
0x57: {  	_ =	shalt  }
0x58: {  	_ =	shalt  }
0x59: {  	_ =	shalt  }
0x5a: {  	_ =	shalt  }
0x5b: {  	_ =	shalt  }
0x5c: {  	_ =	shalt  }
0x5d: {  	_ =	shalt  }
0x5e: {  	_ =	shalt  }
0x5f: {  	_ =	shalt  }
0x60: {  	_ =	shalt  }
0x61: {  	_ =	shalt  }
0x62: {  	_ =	shalt  }
0x63: {  	_ =	shalt  }
0x64: {  	_ =	shalt  }
0x65: {  	_ =	shalt  }
0x66: {  	_ =	shalt  }
0x67: {  	_ =	shalt  }
0x68: {  	_ =	shalt  }
0x69: {  	_ =	shalt  }
0x6a: {  	_ =	shalt  }
0x6b: {  	_ =	shalt  }
0x6c: {  	_ =	shalt  }
0x6d: {  	_ =	shalt  }
0x6e: {  	_ =	shalt  }
0x6f: {  	_ =	shalt  }
0x70: {  	_ =	shalt  }
0x71: {  	_ =	shalt  }
0x72: {  	_ =	shalt  }
0x73: {  	_ =	shalt  }
0x74: {  	_ =	shalt  }
0x75: {  	_ =	shalt  }
0x76: {  	_ =	shalt  }
0x77: {  	_ =	shalt  }
0x78: {  	_ =	shalt  }
0x79: {  	_ =	shalt  }
0x7a: {  	_ =	shalt  }
0x7b: {  	_ =	shalt  }
0x7c: {  	_ =	shalt  }
0x7d: {  	_ =	shalt  }
0x7e: {  	_ =	shalt  }
0x7f: {  	_ =	shalt  }
0x80: {  	_ =	shalt  }
0x81: {  	_ =	shalt  }
0x82: {  	_ =	shalt  }
0x83: {  	_ =	shalt  }
0x84: {  	_ =	shalt  }
0x85: {  	_ =	shalt  }
0x86: {  	_ =	shalt  }
0x87: {  	_ =	shalt  }
.Lfunc_end0:
.L_simem_size_0:
called_computation_lowered:
.L_overlay_start_0:
0x88: {  	s2 =	sld [smem:$0x3FD9]  }
0x89: {  	s3 =	sld [smem:$0x3FFE];
	_ =	sdelay $0x1  }
0x8a: {  	s1 =	srdreg.scid  }
0x8b: {  	s0 =	sand.u32 $0x1, s1  }
0x8c: {  	s17 =	sshll.u32 s0, $0xA;
	s2 =	sadd.s32 s3, s2  }
0x8d: {  	s2 =	sadd.s32 s2, s17  }
0x8e: {  	[smem:$0x3FC6] =	sst s2  }
0x8f: {  	_ = 	snop  }
0x90: {  	s2 =	sld [smem:$0x3FC9];
	(tm) =	ssettm $0x1  }
0x91: {  	s18 =	sld [smem:$0x3FFB];
	_ =	sdelay $0x3  }
0x92: {  	_ =	strace s18  }
0x93: {  	s3 =	sld [smem:$0x3FFC];
	_ =	sdelay $0x3  }
0x94: {  	_ =	strace s3  }
0x95: {  	s3 =	sld [smem:$0x3FFD];
	_ =	sdelay $0x3  }
0x96: {  	_ =	strace s3  }
0x97: {  	_ =	strace $0x8FFFFFFF  }
0x98: {  	s19 =	sld [smem:$0x3FDB];
	_ =	sdelay $0x1  }
0x99: {  	s4 =	simm.s32 $_scs_section_size  }
0x9a: {  	s5 =	simm.s32 $_size__tile_overlayer_lowered;
	s6 =	simm.s32 $_tile_overlayer_lowered  }
0x9b: {  	s22 =	simm.s32 $0x1BFF;
	s21 =	sshll.u32 s6, $0x1;
	s3 =	sadd.s32 s4, s19  }
0x9c: {  	s7 =	simm.s32 $0x0;
	s20 =	sshll.u32 s5, $0x1;
	s5 =	sadd.s32 s21, s3  }
0x9d: {  	[timem:s7], [sflag:s22] =	dma.local [hbm:s5], s20  }
0x9e: {  	_ =	swait.ge [sflag:s22], s20  }
0x9f: {  	s4 =	ssub.s32 $0x0, s20;
	[sflag:s22] =	ssyncset.done $0x0  }
0xa0: {  	[sflag:s22] =	ssyncadd.s32 s4;
	_ =	sdelay $0x1  }
0xa1: {  	s23 =	simm.s32 $0x1B8B  }
0xa2: {  	_ =	swait.ge [sflag:s23], $0x1  }
0xa3: {  	[sflag:s23] =	ssyncset.done $0x0  }
0xa4: {  	s25 =	simm.s32 $0x1B8E;
	s24 =	sld [smem:$0x3FFE];
	[sflag:s23] =	ssyncadd.s32 $0xFFFFFFFF  }
0xa5: {  	s26 =	simm.s32 $execute0_lowered;
	[smem:$0x3FD2] =	sst s25  }
0xa6: {  	s5 =	sshll.u32 s26, $0x1;
	_ =	strace $0x80000046;
	[dreg:$0x1] =	wrdreg $0xFFFFFFFF  }
0xa7: {  	s28 =	simm.s32 $_size_execute0_lowered;
	s3 =	sadd.s32 s3, s5;
	[dreg:$0x0] =	wrdreg $0x0  }
0xa8: {  	s5 =	sshll.u32 s28, $0x1;
	[dreg:$0x2] =	wrdreg s3  }
0xa9: {  	[dreg:$0x3] =	wrdreg s5  }
0xaa: {  	[dreg:$0x4] =	wrdreg $0xC0  }
0xab: {  	_ =	task [dreg:s7], $0x5FFFF  }
0xac: {  	[dreg:$0x1] =	wrdreg $0xFFFFFFFF  }
0xad: {  	[dreg:$0x0] =	wrdreg $0x60  }
0xae: {  	[dreg:$0x2] =	wrdreg s2  }
0xaf: {  	[dreg:$0x3] =	wrdreg s24  }
0xb0: {  	[dreg:$0x4] =	wrdreg $0x9  }
0xb1: {  	_ =	task.clear_ibuf [dreg:s7], $0x5FFFF;
	_ =	strace $0x90000046  }
0xb2: {  	s29 =	simm.s32 $0x9;
	_ =	strace $0x80000048  }
0xb3: {  	_ =	swait.ge [sflag:s29], $0x1  }
0xb4: {  	[sflag:s29] =	ssyncadd.s32 $0xFFFFFFFF  }
0xb5: {  	_ =	strace $0x90000048  }
0xb6: {  	_ =	sfence  }
0xb7: {  	s30 =	sld [smem:$0x0];
	_ =	sdelay $0x2  }
0xb8: {  	s31 =	sshll.u32 s1, $0xD;
	s1 =	sshrl.u32 s1, $0x2  }
0xb9: {  	s3 =	sand.u32 $0x4000, s31;
	s1 =	sadd.s32 s1, s30  }
0xba: {  	s0 =	sor.u32 s3, s0;
	s1 =	sshll.u32 s1, $0x11  }
0xbb: {  	s0 =	sor.u32 s1, s0  }
0xbc: {  	s0 =	sadd.s32 $0x8F2B, s0  }
0xbd: {  	[sflag:s0] =	ssyncadd.remote.s32 $0x1  }
0xbe: {  	_ =	sfence.sel $0xFFFF  }
0xbf: {  	[dreg:$0x0] =	wrdreg $0xFFFFFFFF;
	(pc) =	sbr.abs _section_cstart, $3  }
0xc0: {  	[dreg:$0x1] =	wrdreg $0xFFFFFFFF  }
0xc1: {  	_ =	task.clear_ibuf [dreg:s7], $0x2FFFF;
	_ =	strace $0x9FFFFFFF  }
0xc2: {  	(tm) =	ssettm $0x7FFFFFFF  }
0xc3: {  	_ =	shalt  }
tec
execute0_lowered:
.L_overlay_start_1:
0x0: {  	(tag) =	ssettag $0x1  }
0x1: {  	s4 =	rddreg [dreg:$0x0]  }
0x2: {  	s3 =	rddreg [dreg:$0x1]  }
0x3: {  	s2 =	srdreg.scid;
	s0 =	rddreg [dreg:$0x2]  }
0x4: {  	s1 =	stileid.u32;
	s11 =	simm.s32 $0x3;
	s12 =	simm.s32 $0x80  }
0x5: {  	s13 =	simm.s32 $0x400;
	s14 =	simm.s32 $0x1;
	s15 =	simm.s32 $0x8000  }
0x6: {  	s16 =	simm.s32 $0x2;
	s17 =	simm.s32 $0x10200;
	s18 =	simm.s32 $0x0  }
0x7: {  	s5 =	sand.u32 $0x1, s2;
	s2 =	simm.s32 $0x0;
	s6 =	sshll.u32 s1, $0xA  }
0x8: {  	s9 =	sshll.u32 s1, $0x12;
	s30 =	sshll.u32 s1, $0x5;
	s7 =	sshll.u32 s5, $0x9  }
0x9: {  	[smem:$0x7FF] =	sst s2;
	s8 =	ssub.s32 $0x2, s5;
	s5 =	sshll.u32 s5, $0x4  }
0xa: {  	s6 =	sor.u32 s7, s6;
	_ =	strace $0x80000047;
	s10 =	sshrl.u32 s8, $0x1  }
0xb: {  	s7 =	sor.u32 s7, s9;
	s28 =	sadd.s32 s5, s3;
	s6 =	sshrl.u32 s6, $0x3  }
0xc: {  	v0 =	vlaneseq.u32;
	s10 =	ssub.s32 s8, s10;
	s29 =	sshrl.u32 s7, $0x3;
	s31 =	sadd.s32 s30, s28  }
0xd: {  	v0 =	vmul.u32 $0xFFFFFFFF, v0;
	s6 =	sadd.s32 s6, s3;
	s4 =	sadd.s32 s4, s29;
	s8 =	sadd.s32 $0xE00, s31  }
0xe: {  	vm0 =	vcmask $0x310;
	vm1 =	vcmask $0x710;
	s9 =	smax.u32 s10, $0x1;
	s10 =	simm.s32 $0x10000;
	s3 =	sadd.s32 $0x600, s6  }
0xf: {  	vm2 =	vcmask $0xB10;
	vm3 =	vmmov $0x1;
	v0 =	vadd.s32 $0xF, v0;
	s5 =	sadd.s32 $0x10, s4;
	s6 =	sadd.s32 $0x20, s4;
	s7 =	sadd.s32 $0x30, s4  }
.LBB2_1:
0x10: {  	[tilespmem:s10], [sflag:$0x3] =	stream.linear.gather [hbm4b:s3+s2], $0x200, $0x38;
	[tilespmem:$0x10280] =	vst v63  }
0x11: {  	_ =	swait.ge [sflag:s11], $0x200  }
0x12: {  	[sflag:s11] =	ssyncset.done $0x0  }
0x13: {  	[sflag:s11] =	ssyncadd.s32 $0xFFFFFE00  }
0x14: {  	[tilespmem:s2], [sflag:$0x1] =	stream.strided.gather [hbm4b:s4+s12], $0x8000, s13, s12, $0x38;
	[tilespmem:$0x10280] =	vst v63  }
0x15: {  	_ =	swait.ge [sflag:s14], $0x8000  }
0x16: {  	[sflag:s14] =	ssyncset.done $0x0  }
0x17: {  	s19 =	simm.s32 $0x0;
	[sflag:s14] =	ssyncadd.s32 $0xFFFF8000  }
0x18: {  	[tilespmem:s15], [sflag:$0x2] =	stream.strided.gather [hbm4b:s5+s12], $0x8000, s13, s12, $0x38;
	[tilespmem:$0x10280] =	vst v63  }
0x19: {  	v1 =	vld [tilespmem:s19+$0x30]  }
0x1a: {  	v2 =	vld [tilespmem:s19+$0x10]  }
0x1b: {  	v3 =	vld [tilespmem:s19+$0x20];
	_ =	sdelay $0x2  }
0x1c: {  	v4 =	vld [tilespmem:s19+$0x0];
	(xrf1) =	vsort.ascd.msk.f32 $0xffff, v1, v1  }
0x1d: {  	(xrf1) =	vsort.ascd.msk.f32 $0xffff, v2, v2  }
0x1e: {  	(xrf1) =	vsort.ascd.msk.f32 $0xffff, v3, v3;
	_ =	sdelay $0x2  }
0x1f: {  	(xrf1) =	vsort.ascd.msk.f32 $0xffff, v4, v4;
	_ =	sdelay $0x5  }
0x20: {  	s29 =	simm.s32 $0x40  }
0x21: {  	v1 =	vld [tilespmem:s29+$0x30];
	_ =	sdelay $0x1  }
0x22: {  	v3 =	vld [tilespmem:s29+$0x10];
	v2, _, _ =	vpop (xrf1)  }
0x23: {  	v4, _, _ =	vpop (xrf1);
	v2 =	vperm.xlane v2, v0  }
0x24: {  	v5, _, _ =	vpop (xrf1)  }
0x25: {  	(xrf1) =	vsort.ascd.msk.f32 $0xffff, v1, v1;
	v1 =	vmax.f32 v5, v2  }
0x26: {  	v6 =	vld [tilespmem:s29+$0x20];
	v4 =	vperm.xlane v4, v0;
	(xrf1) =	vsort.dscd.msk.f32 $0xffff, v1, v1  }
0x27: {  	v1 =	vmin.f32 v5, v2;
	v2, _, _ =	vpop (xrf1);
	(xrf1) =	vsort.ascd.msk.f32 $0xffff, v3, v3  }
0x28: {  	v3 =	vmax.f32 v2, v4;
	(xrf1) =	vsort.dscd.msk.f32 $0xffff, v1, v1  }
0x29: {  	v2 =	vmin.f32 v2, v4;
	(xrf1) =	vsort.dscd.msk.f32 $0xffff, v3, v3  }
0x2a: {  	v1 =	vld [tilespmem:s29+$0x0];
	(xrf1) =	vsort.dscd.msk.f32 $0xffff, v2, v2  }
0x2b: {  	(xrf1) =	vsort.ascd.msk.f32 $0xffff, v6, v6;
	_ =	sdelay $0x3  }
0x2c: {  	(xrf1) =	vsort.ascd.msk.f32 $0xffff, v1, v1;
	_ =	sdelay $0x3  }
0x2d: {  	v1, _, _ =	vpop (xrf1)  }
0x2e: {  	s30 =	simm.s32 $0x80;
	v2, _, _ =	vpop (xrf1)  }
0x2f: {  	v3 =	vld [tilespmem:s30+$0x30];
	v4, _, _ =	vpop (xrf1)  }
0x30: {  	v5, _, _ =	vpop (xrf1)  }
0x31: {  	v7, _, _ =	vpop (xrf1)  }
0x32: {  	v46 =	vld [tilespmem:s30+$0x10];
	v1 =	vperm.xlane v1, v0;
	v8, _, _ =	vpop (xrf1)  }
0x33: {  	v9, _, _ =	vpop (xrf1)  }
0x34: {  	(xrf1) =	vsort.ascd.msk.f32 $0xffff, v3, v3;
	v3 =	vmax.f32 v9, v1;
	_ =	sdelay $0x1  }
0x35: {  	v10 =	vld [tilespmem:s30+$0x20];
	v4 =	vperm.xlane v4, v0;
	(xrf1) =	vsort.dscd.msk.f32 $0xffff, v3, v3  }
0x36: {  	v1 =	vmin.f32 v9, v1;
	(xrf1) =	vsort.ascd.msk.f32 $0xffff, v46, v46;
	v3, _, _ =	vpop (xrf1)  }
0x37: {  	v47 =	vld [tilespmem:s30+$0x0];
	(xrf1) =	vsort.dscd.msk.f32 $0xffff, v1, v1;
	v48 =	vmax.f32 v3, v4  }
0x38: {  	v1 =	vmin.f32 v3, v4;
	(xrf1) =	vsort.dscd.msk.f32 $0xffff, v48, v48  }
0x39: {  	(xrf1) =	vsort.dscd.msk.f32 $0xffff, v1, v1;
	v1 =	vperm.xlane v2, v0;
	v2 =	vperm.xlane v5, v0  }
0x3a: {  	(xrf1) =	vsort.ascd.msk.f32 $0xffff, v10, v10  }
0x3b: {  	v3 =	vmin.f32 v8, v1;
	v4 =	vmin.f32 v7, v2  }
0x3c: {  	(xrf1) =	vsort.ascd.msk.f32 $0xffff, v47, v47;
	v1 =	vmax.f32 v8, v1;
	v5 =	vmin.f32 v4, v3  }
0x3d: {  	v2 =	vmax.f32 v7, v2;
	v3 =	vmax.f32 v4, v3;
	(xrf1) =	vsort.dscd.msk.f32 $0xffff, v5, v5  }
0x3e: {  	v4 =	vmax.f32 v2, v1;
	(xrf1) =	vsort.dscd.msk.f32 $0xffff, v3, v3  }
0x3f: {  	v1 =	vmin.f32 v2, v1;
	(xrf1) =	vsort.dscd.msk.f32 $0xffff, v4, v4  }
0x40: {  	(xrf1) =	vsort.dscd.msk.f32 $0xffff, v1, v1;
	_ =	sdelay $0x1  }
0x41: {  	s31 =	simm.s32 $0xC0;
	v1, _, _ =	vpop (xrf1)  }
0x42: {  	v3 =	vld [tilespmem:s31+$0x30];
	v2, _, _ =	vpop (xrf1)  }
0x43: {  	v4, _, _ =	vpop (xrf1)  }
0x44: {  	v5, _, _ =	vpop (xrf1)  }
0x45: {  	v49 =	vld [tilespmem:s31+$0x10];
	v50, _, _ =	vpop (xrf1)  }
0x46: {  	v1 =	vperm.xlane v1, v0;
	v5 =	vperm.xlane v5, v0;
	v51, _, _ =	vpop (xrf1)  }
0x47: {  	v2 =	vperm.xlane v2, v0;
	(xrf1) =	vsort.ascd.msk.f32 $0xffff, v3, v3;
	v52, _, _ =	vpop (xrf1)  }
0x48: {  	v4 =	vperm.xlane v4, v0;
	v58 =	vmin.f32 v50, v5;
	v3 =	vmax.f32 v52, v1  }
0x49: {  	v53 =	vld [tilespmem:s31+$0x20];
	v5 =	vmax.f32 v50, v5;
	v11 =	vmin.f32 v51, v2;
	v12, _, _ =	vpop (xrf1);
	(xrf1) =	vsort.dscd.msk.f32 $0xffff, v3, v3  }
0x4a: {  	v2 =	vmax.f32 v51, v2;
	v1 =	vmin.f32 v52, v1;
	v3 =	vld [tilespmem:s31+$0x0];
	(xrf1) =	vsort.ascd.msk.f32 $0xffff, v49, v49;
	v55, _, _ =	vpop (xrf1)  }
0x4b: {  	v9 =	vmin.f32 v58, v11;
	v54 =	vmax.f32 v12, v4;
	(xrf1) =	vsort.dscd.msk.f32 $0xffff, v1, v1;
	v56, _, _ =	vpop (xrf1)  }
0x4c: {  	v61 =	vmax.f32 v5, v2;
	v4 =	vmin.f32 v12, v4;
	(xrf1) =	vsort.dscd.msk.f32 $0xffff, v54, v54;
	v57, _, _ =	vpop (xrf1)  }
0x4d: {  	v2 =	vmin.f32 v5, v2;
	v1 =	vperm.xlane v55, v0;
	(xrf1) =	vsort.dscd.msk.f32 $0xffff, v4, v4;
	v59, _, _ =	vpop (xrf1)  }
0x4e: {  	v6 =	vperm.xlane v56, v0;
	(xrf1) =	vsort.ascd.msk.f32 $0xffff, v53, v53;
	v60 =	vperm.xlane v59, v0  }
0x4f: {  	v4 =	vmax.f32 v58, v11;
	v8 =	vperm.xlane v57, v0;
	(xrf1) =	vsort.ascd.msk.f32 $0xffff, v3, v3;
	v3 =	vimm.f32 $-Inf  }
0x50: {  	(xrf1) =	vsort.dscd.msk.f32 $0xffff, v9, v9;
	v5 =	vmax.f32 v3, v60;
	v1 =	vmax.f32 v3, v1  }
0x51: {  	(xrf1) =	vsort.dscd.msk.f32 $0xffff, v4, v4;
	v4 =	vmax.f32 v3, v6;
	v3 =	vmax.f32 v3, v8  }
0x52: {  	v62 =	vmax.f32 v1, v5;
	v63 =	vmax.f32 v4, v3  }
0x53: {  	v5 =	vmin.f32 v1, v5;
	(xrf1) =	vsort.dscd.msk.f32 $0xffff, v61, v61;
	v1 =	vmin.f32 v62, v63  }
0x54: {  	(xrf1) =	vsort.dscd.msk.f32 $0xffff, v2, v2  }
0x55: {  	v6 =	vmax.f32 v62, v63;
	v2 =	vmin.f32 v4, v3;
	(xrf1) =	vsort.dscd.msk.f32 $0xffff, v1, v1  }
0x56: {  	s20 =	simm.s32 $0x400;
	s19 =	simm.s32 $0x500;
	v3 =	vmax.f32 v5, v2;
	v2 =	vmin.f32 v5, v2;
	(xrf1) =	vsort.dscd.msk.f32 $0xffff, v6, v6;
	v1, _, _ =	vpop (xrf1)  }
.LBB2_2:
0x57: {  	p0 =	sne.s32 s19, $0x1FF00  }
0x58: {  	s21 =	sshra.s32 s20, $0x2;
	v4, _, _ =	vpop (xrf1);
	(xrf1) =	vsort.dscd.msk.f32 $0xffff, v3, v3;
	s20 =	smov.u32 s19;
	s19 =	sadd.s32 $0x100, s19  }
0x59: {  	v3 =	vld [tilespmem:s21+$0x30];
	v5, _, _ =	vpop (xrf1);
	v4 =	vperm.xlane v4, v0;
	(xrf1) =	vsort.dscd.msk.f32 $0xffff, v2, v2  }
0x5a: {  	v2 =	vld [tilespmem:s21+$0x20];
	v6, _, _ =	vpop (xrf1)  }
0x5b: {  	v7 =	vld [tilespmem:s21+$0x10];
	v8, _, _ =	vpop (xrf1)  }
0x5c: {  	v1 =	vperm.xlane v1, v0;
	v9 =	vld [tilespmem:s21+$0x0];
	v10, _, _ =	vpop (xrf1)  }
0x5d: {  	v5 =	vperm.xlane v5, v0;
	v11, _, _ =	vpop (xrf1);
	v12 =	vmin.f32 v10, v4  }
0x5e: {  	(xrf1) =	vsort.ascd.msk.f32 $0xffff, v3, v3;
	v14 =	vmax.f32 v11, v1;
	v1 =	vmin.f32 v11, v1;
	v11, _, _ =	vpop (xrf1)  }
0x5f: {  	v13 =	vmax.f32 v11, v5;
	v5 =	vmin.f32 v11, v5;
	(xrf1) =	vsort.dscd.msk.f32 $0xffff, v14, v14;
	v3, _, _ =	vpop (xrf1)  }
0x60: {  	v6 =	vperm.xlane v6, v0;
	(xrf1) =	vsort.ascd.msk.f32 $0xffff, v7, v7;
	v3 =	vperm.xlane v3, v0;
	v7, _, _ =	vpop (xrf1)  }
0x61: {  	(xrf1) =	vsort.dscd.msk.f32 $0xffff, v1, v1;
	v1 =	vmax.f32 v10, v4;
	v4, _, _ =	vpop (xrf1)  }
0x62: {  	v10 =	vmin.f32 v8, v6;
	v7 =	vperm.xlane v7, v0;
	(xrf1) =	vsort.dscd.msk.f32 $0xffff, v13, v13  }
0x63: {  	(xrf1) =	vsort.dscd.msk.f32 $0xffff, v5, v5;
	v5 =	vmax.f32 v10, v12;
	v10 =	vmin.f32 v10, v12;
	v11, _, _ =	vpop (xrf1)  }
0x64: {  	(xrf1) =	vsort.ascd.msk.f32 $0xffff, v2, v2;
	v2 =	vmax.f32 v8, v6;
	v12 =	vperm.xlane v11, v0;
	v8, _, _ =	vpop (xrf1)  }
0x65: {  	(xrf1) =	vsort.ascd.msk.f32 $0xffff, v9, v9;
	v9 =	vmax.f32 v2, v1;
	v11, _, _ =	vpop (xrf1)  }
0x66: {  	v1 =	vmin.f32 v2, v1;
	v2 =	vperm.xlane v4, v0;
	(xrf1) =	vsort.dscd.msk.f32 $0xffff, v10, v10;
	v4, _, _ =	vpop (xrf1)  }
0x67: {  	(xrf1) =	vsort.dscd.msk.f32 $0xffff, v5, v5;
	v5 =	vmax.f32 v8, v7;
	v4 =	vmax.f32 v4, v12;
	v6, _, _ =	vpop (xrf1)  }
.Ltmp0:
0x68: {  	v3 =	vmax.f32 v11, v3;
	(xrf1) =	vsort.dscd.msk.f32 $0xffff, v9, v9;
	v2 =	vmax.f32 v6, v2;
	(pc) =	sbr.rel @p0 .LBB2_2-.Ltmp0, $4  }
0x69: {  	v6 =	vmax.f32 v3, v4;
	v4 =	vmin.f32 v3, v4;
	v3 =	vmax.f32 v5, v2  }
0x6a: {  	(xrf1) =	vsort.dscd.msk.f32 $0xffff, v1, v1;
	v7 =	vmax.f32 v6, v3;
	v3 =	vmin.f32 v6, v3  }
0x6b: {  	v2 =	vmin.f32 v5, v2;
	(xrf1) =	vsort.dscd.msk.f32 $0xffff, v3, v3  }
0x6c: {  	v3 =	vmax.f32 v4, v2;
	v2 =	vmin.f32 v4, v2;
	v1, _, _ =	vpop (xrf1);
	(xrf1) =	vsort.dscd.msk.f32 $0xffff, v7, v7  }
0x6d: {  	s19 =	sshra.s32 s20, $0x2;
	v4, _, _ =	vpop (xrf1);
	(xrf1) =	vsort.dscd.msk.f32 $0xffff, v3, v3  }
0x6e: {  	v3 =	vld [tilespmem:s19+$0x30];
	v5, _, _ =	vpop (xrf1);
	(xrf1) =	vsort.dscd.msk.f32 $0xffff, v2, v2  }
0x6f: {  	v2, _, _ =	vpop (xrf1)  }
0x70: {  	v6 =	vld [tilespmem:s19+$0x10];
	v7, _, _ =	vpop (xrf1)  }
0x71: {  	v1 =	vperm.xlane v1, v0;
	v8, _, _ =	vpop (xrf1)  }
0x72: {  	v4 =	vperm.xlane v4, v0;
	v9, _, _ =	vpop (xrf1)  }
0x73: {  	v5 =	vperm.xlane v5, v0;
	(xrf1) =	vsort.ascd.msk.f32 $0xffff, v3, v3;
	v3 =	vmax.f32 v9, v1  }
0x74: {  	v10 =	vld [tilespmem:s19+$0x20];
	v2 =	vperm.xlane v2, v0;
	v12, _, _ =	vpop (xrf1);
	v1 =	vmin.f32 v9, v1;
	(xrf1) =	vsort.dscd.msk.f32 $0xffff, v3, v3  }
0x75: {  	v3 =	vld [tilespmem:s19+$0x0];
	v9 =	vmax.f32 v12, v5;
	v13, _, _ =	vpop (xrf1);
	v5 =	vmin.f32 v12, v5;
	(xrf1) =	vsort.ascd.msk.f32 $0xffff, v6, v6  }
0x76: {  	v11 =	vmin.f32 v8, v4;
	v4 =	vmax.f32 v8, v4;
	v6, _, _ =	vpop (xrf1);
	(xrf1) =	vsort.dscd.msk.f32 $0xffff, v1, v1  }
0x77: {  	v8, _, _ =	vpop (xrf1);
	v6 =	vperm.xlane v6, v0;
	(xrf1) =	vsort.dscd.msk.f32 $0xffff, v9, v9;
	v9 =	vmin.f32 v7, v2  }
0x78: {  	(xrf1) =	vsort.dscd.msk.f32 $0xffff, v5, v5;
	v5, _, _ =	vpop (xrf1);
	v32 =	vmax.f32 v9, v11;
	v9 =	vmin.f32 v9, v11  }
0x79: {  	v1 =	vperm.xlane v13, v0;
	v2 =	vmax.f32 v7, v2;
	(xrf1) =	vsort.ascd.msk.f32 $0xffff, v10, v10;
	v10, _, _ =	vpop (xrf1)  }
0x7a: {  	v8 =	vperm.xlane v8, v0;
	v7 =	vmax.f32 v2, v4;
	(xrf1) =	vsort.ascd.msk.f32 $0xffff, v3, v3;
	v3, _, _ =	vpop (xrf1)  }
0x7b: {  	v2 =	vmin.f32 v2, v4;
	v5 =	vperm.xlane v5, v0;
	(xrf1) =	vsort.dscd.msk.f32 $0xffff, v9, v9;
	v9, _, _ =	vpop (xrf1)  }
0x7c: {  	v4 =	vmax.f32 v10, v6;
	v1 =	vmax.f32 v3, v1;
	(xrf1) =	vsort.dscd.msk.f32 $0xffff, v32, v32;
	v6, _, _ =	vpop (xrf1)  }
0x7d: {  	v5 =	vmax.f32 v9, v5;
	v3 =	vmax.f32 v6, v8;
	(xrf1) =	vsort.dscd.msk.f32 $0xffff, v7, v7  }
0x7e: {  	v6 =	vmax.f32 v1, v5;
	v1 =	vmin.f32 v1, v5;
	v7 =	vmax.f32 v4, v3  }
0x7f: {  	(xrf1) =	vsort.dscd.msk.f32 $0xffff, v2, v2;
	v3 =	vmin.f32 v4, v3;
	v2 =	vmin.f32 v6, v7  }
0x80: {  	(xrf1) =	vsort.dscd.msk.f32 $0xffff, v2, v2;
	v2 =	vmax.f32 v1, v3  }
0x81: {  	v5 =	vmax.f32 v6, v7;
	v1 =	vmin.f32 v1, v3  }
0x82: {  	(xrf1) =	vsort.dscd.msk.f32 $0xffff, v5, v5;
	v4, _, _ =	vpop (xrf1)  }
0x83: {  	(xrf1) =	vsort.dscd.msk.f32 $0xffff, v2, v2;
	v2, _, _ =	vpop (xrf1)  }
0x84: {  	(xrf1) =	vsort.dscd.msk.f32 $0xffff, v1, v1;
	v1, _, _ =	vpop (xrf1)  }
0x85: {  	v3, _, _ =	vpop (xrf1)  }
0x86: {  	v5, _, _ =	vpop (xrf1)  }
0x87: {  	v4 =	vperm.xlane v4, v0;
	v6, _, _ =	vpop (xrf1)  }
0x88: {  	v7, _, _ =	vpop (xrf1)  }
0x89: {  	v2 =	vperm.xlane v2, v0;
	v10 =	vmax.f32 v7, v4  }
0x8a: {  	v1 =	vperm.xlane v1, v0;
	v8, _, _ =	vpop (xrf1);
	v4 =	vmin.f32 v7, v4  }
0x8b: {  	v3 =	vperm.xlane v3, v0;
	v9 =	vmin.f32 v6, v2;
	v7, _, _ =	vpop (xrf1);
	(xrf1) =	vsort.dscd.msk.f32 $0xffff, v10, v10  }
0x8c: {  	v2 =	vmax.f32 v6, v2;
	v11 =	vmax.f32 v8, v1;
	v10, _, _ =	vpop (xrf1);
	(xrf1) =	vsort.dscd.msk.f32 $0xffff, v4, v4  }
0x8d: {  	v6 =	vmin.f32 v5, v3;
	v1 =	vmin.f32 v8, v1;
	v4, _, _ =	vpop (xrf1);
	(xrf1) =	vsort.dscd.msk.f32 $0xffff, v11, v11  }
0x8e: {  	v8, _, _ =	vpop (xrf1);
	(xrf1) =	vsort.dscd.msk.f32 $0xffff, v1, v1;
	v1 =	vmax.f32 v6, v9;
	v6 =	vmin.f32 v6, v9  }
0x8f: {  	v3 =	vmax.f32 v5, v3;
	v7 =	vperm.xlane v7, v0;
	v11, _, _ =	vpop (xrf1)  }
0x90: {  	v10 =	vperm.xlane v10, v0;
	v5 =	vperm.xlane v8, v0;
	v8, _, _ =	vpop (xrf1)  }
0x91: {  	v9 =	vmax.f32 v3, v2;
	v4 =	vperm.xlane v4, v0;
	(xrf1) =	vsort.dscd.msk.f32 $0xffff, v6, v6;
	v6, _, _ =	vpop (xrf1)  }
0x92: {  	v2 =	vmin.f32 v3, v2;
	(xrf1) =	vsort.dscd.msk.f32 $0xffff, v1, v1;
	v1 =	vmax.f32 v11, v10;
	v3, _, _ =	vpop (xrf1)  }
0x93: {  	v5 =	vmax.f32 v6, v5;
	v6 =	vmax.f32 v8, v7;
	v3 =	vmax.f32 v3, v4  }
0x94: {  	(xrf1) =	vsort.dscd.msk.f32 $0xffff, v9, v9;
	v4 =	vmax.f32 v6, v5;
	v7 =	vmax.f32 v1, v3  }
0x95: {  	(xrf1) =	vsort.dscd.msk.f32 $0xffff, v2, v2;
	v5 =	vmin.f32 v6, v5;
	v2 =	vmin.f32 v4, v7  }
0x96: {  	v1 =	vmin.f32 v1, v3;
	v4 =	vmax.f32 v4, v7;
	(xrf1) =	vsort.dscd.msk.f32 $0xffff, v2, v2  }
0x97: {  	v2 =	vmax.f32 v5, v1;
	(xrf1) =	vsort.dscd.msk.f32 $0xffff, v4, v4  }
0x98: {  	v1 =	vmin.f32 v5, v1;
	(xrf1) =	vsort.dscd.msk.f32 $0xffff, v2, v2  }
0x99: {  	(xrf1) =	vsort.dscd.msk.f32 $0xffff, v1, v1;
	_ =	sdelay $0x2  }
0x9a: {  	v1, _, _ =	vpop (xrf1)  }
0x9b: {  	v2, _, _ =	vpop (xrf1)  }
0x9c: {  	v3, _, _ =	vpop (xrf1)  }
0x9d: {  	v4, _, _ =	vpop (xrf1)  }
0x9e: {  	v1 =	vperm.xlane v1, v0;
	v2 =	vperm.xlane v2, v0;
	v5, _, _ =	vpop (xrf1)  }
0x9f: {  	v6, _, _ =	vpop (xrf1)  }
0xa0: {  	v8 =	vmin.f32 v4, v1;
	v9 =	vmin.f32 v3, v2;
	v1 =	vmax.f32 v4, v1;
	v7, _, _ =	vpop (xrf1)  }
0xa1: {  	v4 =	vperm.xlane v6, v0;
	v6 =	vmax.f32 v9, v8;
	v8 =	vmin.f32 v9, v8;
	v10, _, _ =	vpop (xrf1)  }
0xa2: {  	v11, _, _ =	vpop (xrf1)  }
0xa3: {  	v2 =	vmax.f32 v3, v2;
	v5 =	vperm.xlane v5, v0;
	(xrf1) =	vsort.dscd.msk.f32 $0xffff, v8, v8;
	v9, _, _ =	vpop (xrf1)  }
0xa4: {  	v7 =	vperm.xlane v7, v0;
	v3 =	vperm.xlane v10, v0;
	v10 =	vmax.f32 v2, v1;
	v8, _, _ =	vpop (xrf1)  }
0xa5: {  	v1 =	vmin.f32 v2, v1;
	(xrf1) =	vsort.dscd.msk.f32 $0xffff, v6, v6;
	v2 =	vmax.f32 v11, v4;
	v4, _, _ =	vpop (xrf1)  }
0xa6: {  	v5 =	vmax.f32 v9, v5;
	v3 =	vmax.f32 v8, v3;
	v4 =	vmax.f32 v4, v7  }
0xa7: {  	(xrf1) =	vsort.dscd.msk.f32 $0xffff, v10, v10;
	v6 =	vmax.f32 v5, v3;
	v7 =	vmax.f32 v2, v4  }
0xa8: {  	(xrf1) =	vsort.dscd.msk.f32 $0xffff, v1, v1;
	v3 =	vmin.f32 v5, v3;
	v1 =	vmin.f32 v6, v7  }
0xa9: {  	v2 =	vmin.f32 v2, v4;
	v5 =	vmax.f32 v6, v7;
	(xrf1) =	vsort.dscd.msk.f32 $0xffff, v1, v1  }
0xaa: {  	v1 =	vmax.f32 v3, v2;
	(xrf1) =	vsort.dscd.msk.f32 $0xffff, v5, v5  }
0xab: {  	v2 =	vmin.f32 v3, v2;
	(xrf1) =	vsort.dscd.msk.f32 $0xffff, v1, v1  }
0xac: {  	(xrf1) =	vsort.dscd.msk.f32 $0xffff, v2, v2;
	_ =	sdelay $0x6  }
0xad: {  	v1, _, _ =	vpop (xrf1)  }
0xae: {  	v2, _, _ =	vpop (xrf1)  }
0xaf: {  	v3, _, _ =	vpop (xrf1)  }
0xb0: {  	v4, _, _ =	vpop (xrf1)  }
0xb1: {  	v5, _, _ =	vpop (xrf1)  }
0xb2: {  	v1 =	vperm.xlane v1, v0;
	v2 =	vperm.xlane v2, v0;
	v6, _, _ =	vpop (xrf1)  }
0xb3: {  	v3 =	vperm.xlane v3, v0;
	v4 =	vperm.xlane v4, v0;
	v7, _, _ =	vpop (xrf1)  }
0xb4: {  	v2 =	vmax.f32 v5, v2;
	v5, _, _ =	vpop (xrf1)  }
0xb5: {  	v1 =	vmax.f32 v6, v1;
	v4 =	vmax.f32 v7, v4;
	v3 =	vmax.f32 v5, v3  }
0xb6: {  	v5 =	vmax.f32 v1, v4;
	v6 =	vmax.f32 v2, v3  }
0xb7: {  	v1 =	vmin.f32 v1, v4;
	v4 =	vmin.f32 v5, v6  }
0xb8: {  	v2 =	vmin.f32 v2, v3;
	v5 =	vmax.f32 v5, v6;
	(xrf1) =	vsort.dscd.msk.f32 $0xffff, v4, v4  }
0xb9: {  	v3 =	vmax.f32 v1, v2;
	(xrf1) =	vsort.dscd.msk.f32 $0xffff, v5, v5  }
0xba: {  	v1 =	vmin.f32 v1, v2;
	(xrf1) =	vsort.dscd.msk.f32 $0xffff, v3, v3  }
0xbb: {  	(xrf1) =	vsort.dscd.msk.f32 $0xffff, v1, v1;
	_ =	sdelay $0xa  }
0xbc: {  	v3, _, _ =	vpop (xrf1)  }
0xbd: {  	v7 =	vld [tilespmem:$0x10020];
	v8, _, _ =	vpop (xrf1)  }
0xbe: {  	v2 =	vld [tilespmem:$0x10030];
	v6, _, _ =	vpop (xrf1)  }
0xbf: {  	v4 =	vld [tilespmem:$0x10000];
	v1, _, _ =	vpop (xrf1)  }
0xc0: {  	v5 =	vld [tilespmem:$0x10010];
	_ =	swait.ge [sflag:s16], $0x8000  }
0xc1: {  	[sflag:s16] =	ssyncset.done $0x0  }
0xc2: {  	s26 =	simm.s32 $0x0;
	s28 =	simm.s32 $0x0;
	[sflag:s16] =	ssyncadd.s32 $0xFFFF8000  }
0xc3: {  	[tilespmem:s26], [sflag:$0x1] =	stream.strided.gather [hbm4b:s6+s12], $0x8000, s13, s12, $0x38;
	[tilespmem:$0x10280] =	vst v63  }
0xc4: {  	v9 =	vld [tilespmem:s28+$0x8030]  }
0xc5: {  	v10 =	vld [tilespmem:s28+$0x8010]  }
0xc6: {  	v11 =	vld [tilespmem:s28+$0x8020];
	_ =	sdelay $0x2  }
0xc7: {  	v33 =	vld [tilespmem:s28+$0x8000];
	(xrf1) =	vsort.ascd.msk.f32 $0xffff, v9, v9  }
0xc8: {  	(xrf1) =	vsort.ascd.msk.f32 $0xffff, v10, v10  }
0xc9: {  	(xrf1) =	vsort.ascd.msk.f32 $0xffff, v11, v11;
	_ =	sdelay $0x2  }
0xca: {  	(xrf1) =	vsort.ascd.msk.f32 $0xffff, v33, v33;
	_ =	sdelay $0x5  }
0xcb: {  	s29 =	simm.s32 $0x40  }
0xcc: {  	v9 =	vld [tilespmem:s29+$0x8030];
	_ =	sdelay $0x1  }
0xcd: {  	v11 =	vld [tilespmem:s29+$0x8010];
	v10, _, _ =	vpop (xrf1)  }
0xce: {  	v34, _, _ =	vpop (xrf1);
	v10 =	vperm.xlane v10, v0  }
0xcf: {  	v35, _, _ =	vpop (xrf1)  }
0xd0: {  	(xrf1) =	vsort.ascd.msk.f32 $0xffff, v9, v9;
	v9 =	vmax.f32 v35, v10  }
0xd1: {  	v14 =	vld [tilespmem:s29+$0x8020];
	v12 =	vperm.xlane v34, v0;
	(xrf1) =	vsort.dscd.msk.f32 $0xffff, v9, v9  }
0xd2: {  	v9 =	vmin.f32 v35, v10;
	v10, _, _ =	vpop (xrf1);
	(xrf1) =	vsort.ascd.msk.f32 $0xffff, v11, v11  }
0xd3: {  	v11 =	vmax.f32 v10, v12;
	(xrf1) =	vsort.dscd.msk.f32 $0xffff, v9, v9  }
0xd4: {  	v10 =	vmin.f32 v10, v12;
	(xrf1) =	vsort.dscd.msk.f32 $0xffff, v11, v11  }
0xd5: {  	v9 =	vld [tilespmem:s29+$0x8000];
	(xrf1) =	vsort.dscd.msk.f32 $0xffff, v10, v10  }
0xd6: {  	(xrf1) =	vsort.ascd.msk.f32 $0xffff, v14, v14;
	_ =	sdelay $0x3  }
0xd7: {  	(xrf1) =	vsort.ascd.msk.f32 $0xffff, v9, v9;
	_ =	sdelay $0x3  }
0xd8: {  	v9, _, _ =	vpop (xrf1)  }
0xd9: {  	s30 =	simm.s32 $0x80;
	v10, _, _ =	vpop (xrf1)  }
0xda: {  	v11 =	vld [tilespmem:s30+$0x8030];
	v36, _, _ =	vpop (xrf1)  }
0xdb: {  	v37, _, _ =	vpop (xrf1)  }
0xdc: {  	v15, _, _ =	vpop (xrf1)  }
0xdd: {  	v38 =	vld [tilespmem:s30+$0x8010];
	v9 =	vperm.xlane v9, v0;
	v16, _, _ =	vpop (xrf1)  }
0xde: {  	v17, _, _ =	vpop (xrf1)  }
0xdf: {  	(xrf1) =	vsort.ascd.msk.f32 $0xffff, v11, v11;
	v11 =	vmax.f32 v17, v9;
	_ =	sdelay $0x1  }
0xe0: {  	v18 =	vld [tilespmem:s30+$0x8020];
	v12 =	vperm.xlane v36, v0;
	(xrf1) =	vsort.dscd.msk.f32 $0xffff, v11, v11  }
0xe1: {  	v9 =	vmin.f32 v17, v9;
	(xrf1) =	vsort.ascd.msk.f32 $0xffff, v38, v38;
	v11, _, _ =	vpop (xrf1)  }
0xe2: {  	(xrf1) =	vsort.dscd.msk.f32 $0xffff, v9, v9;
	v40 =	vmax.f32 v11, v12  }
0xe3: {  	v39 =	vld [tilespmem:s30+$0x8000];
	v9 =	vmin.f32 v11, v12;
	(xrf1) =	vsort.dscd.msk.f32 $0xffff, v40, v40  }
0xe4: {  	(xrf1) =	vsort.dscd.msk.f32 $0xffff, v9, v9  }
0xe5: {  	v9 =	vperm.xlane v10, v0;
	v10 =	vperm.xlane v37, v0;
	(xrf1) =	vsort.ascd.msk.f32 $0xffff, v18, v18;
	_ =	sdelay $0x1  }
0xe6: {  	v11 =	vmin.f32 v16, v9;
	v41 =	vmin.f32 v15, v10  }
0xe7: {  	(xrf1) =	vsort.ascd.msk.f32 $0xffff, v39, v39;
	v9 =	vmax.f32 v16, v9;
	v42 =	vmin.f32 v41, v11  }
0xe8: {  	v10 =	vmax.f32 v15, v10;
	v11 =	vmax.f32 v41, v11;
	(xrf1) =	vsort.dscd.msk.f32 $0xffff, v42, v42  }
0xe9: {  	v43 =	vmax.f32 v10, v9;
	v9 =	vmin.f32 v10, v9;
	(xrf1) =	vsort.dscd.msk.f32 $0xffff, v11, v11  }
0xea: {  	(xrf1) =	vsort.dscd.msk.f32 $0xffff, v43, v43  }
0xeb: {  	(xrf1) =	vsort.dscd.msk.f32 $0xffff, v9, v9  }
0xec: {  	v9, _, _ =	vpop (xrf1)  }
0xed: {  	s31 =	simm.s32 $0xC0;
	v10, _, _ =	vpop (xrf1)  }
0xee: {  	v11 =	vld [tilespmem:s31+$0x8030];
	v44, _, _ =	vpop (xrf1)  }
0xef: {  	v45, _, _ =	vpop (xrf1)  }
0xf0: {  	v46 =	vld [tilespmem:s31+$0x8010];
	v47, _, _ =	vpop (xrf1)  }
0xf1: {  	v9 =	vperm.xlane v9, v0;
	v48, _, _ =	vpop (xrf1)  }
0xf2: {  	v10 =	vperm.xlane v10, v0;
	v13 =	vperm.xlane v45, v0;
	v49, _, _ =	vpop (xrf1)  }
0xf3: {  	(xrf1) =	vsort.ascd.msk.f32 $0xffff, v11, v11;
	v12 =	vperm.xlane v44, v0;
	v11 =	vmax.f32 v49, v9  }
0xf4: {  	v50 =	vld [tilespmem:s31+$0x8020];
	v55 =	vmin.f32 v47, v13;
	v13 =	vmax.f32 v47, v13;
	(xrf1) =	vsort.dscd.msk.f32 $0xffff, v11, v11  }
0xf5: {  	v19 =	vmin.f32 v48, v10;
	v20, _, _ =	vpop (xrf1);
	v9 =	vmin.f32 v49, v9;
	v11 =	vld [tilespmem:s31+$0x8000];
	(xrf1) =	vsort.ascd.msk.f32 $0xffff, v46, v46  }
0xf6: {  	v10 =	vmax.f32 v48, v10;
	v51 =	vmax.f32 v20, v12;
	v52, _, _ =	vpop (xrf1);
	(xrf1) =	vsort.dscd.msk.f32 $0xffff, v9, v9  }
0xf7: {  	v56 =	vmax.f32 v55, v19;
	v12 =	vmin.f32 v20, v12;
	v53, _, _ =	vpop (xrf1);
	(xrf1) =	vsort.dscd.msk.f32 $0xffff, v51, v51  }
0xf8: {  	v17 =	vmin.f32 v55, v19;
	v59 =	vmax.f32 v13, v10;
	v54, _, _ =	vpop (xrf1);
	(xrf1) =	vsort.dscd.msk.f32 $0xffff, v12, v12  }
0xf9: {  	v9 =	vperm.xlane v52, v0;
	v14 =	vperm.xlane v53, v0;
	v57, _, _ =	vpop (xrf1);
	(xrf1) =	vsort.ascd.msk.f32 $0xffff, v50, v50  }
0xfa: {  	v16 =	vperm.xlane v54, v0;
	v58 =	vperm.xlane v57, v0;
	(xrf1) =	vsort.ascd.msk.f32 $0xffff, v11, v11;
	v11 =	vimm.f32 $-Inf  }
0xfb: {  	v10 =	vmin.f32 v13, v10;
	(xrf1) =	vsort.dscd.msk.f32 $0xffff, v17, v17;
	v60 =	vmax.f32 v11, v14  }
0xfc: {  	v61 =	vmax.f32 v11, v58;
	v9 =	vmax.f32 v11, v9;
	v11 =	vmax.f32 v11, v16  }
0xfd: {  	(xrf1) =	vsort.dscd.msk.f32 $0xffff, v56, v56;
	v62 =	vmax.f32 v9, v61;
	v63 =	vmax.f32 v60, v11  }
0xfe: {  	v13 =	vmin.f32 v9, v61;
	(xrf1) =	vsort.dscd.msk.f32 $0xffff, v59, v59;
	v9 =	vmin.f32 v62, v63  }
0xff: {  	(xrf1) =	vsort.dscd.msk.f32 $0xffff, v10, v10  }
0x100: {  	v14 =	vmax.f32 v62, v63;
	v10 =	vmin.f32 v60, v11;
	(xrf1) =	vsort.dscd.msk.f32 $0xffff, v9, v9  }
0x101: {  	s20 =	simm.s32 $0x400;
	s19 =	simm.s32 $0x500;
	v11 =	vmax.f32 v13, v10;
	v10 =	vmin.f32 v13, v10;
	v9, _, _ =	vpop (xrf1);
	(xrf1) =	vsort.dscd.msk.f32 $0xffff, v14, v14  }
.LBB2_4:
0x102: {  	p0 =	sne.s32 s19, $0x1FF00  }
0x103: {  	s21 =	sshra.s32 s20, $0x2;
	v12, _, _ =	vpop (xrf1);
	(xrf1) =	vsort.dscd.msk.f32 $0xffff, v11, v11;
	s20 =	smov.u32 s19;
	s19 =	sadd.s32 $0x100, s19  }
0x104: {  	v11 =	vld [tilespmem:s21+$0x8030];
	v13, _, _ =	vpop (xrf1);
	v12 =	vperm.xlane v12, v0;
	(xrf1) =	vsort.dscd.msk.f32 $0xffff, v10, v10  }
0x105: {  	v10 =	vld [tilespmem:s21+$0x8020];
	v14, _, _ =	vpop (xrf1)  }
0x106: {  	v15 =	vld [tilespmem:s21+$0x8010];
	v16, _, _ =	vpop (xrf1)  }
0x107: {  	v9 =	vperm.xlane v9, v0;
	v17 =	vld [tilespmem:s21+$0x8000];
	v18, _, _ =	vpop (xrf1)  }
0x108: {  	v13 =	vperm.xlane v13, v0;
	v19, _, _ =	vpop (xrf1);
	v20 =	vmin.f32 v18, v12  }
0x109: {  	(xrf1) =	vsort.ascd.msk.f32 $0xffff, v11, v11;
	v22 =	vmax.f32 v19, v9;
	v9 =	vmin.f32 v19, v9;
	v19, _, _ =	vpop (xrf1)  }
0x10a: {  	v21 =	vmax.f32 v19, v13;
	v13 =	vmin.f32 v19, v13;
	(xrf1) =	vsort.dscd.msk.f32 $0xffff, v22, v22;
	v11, _, _ =	vpop (xrf1)  }
0x10b: {  	v14 =	vperm.xlane v14, v0;
	(xrf1) =	vsort.ascd.msk.f32 $0xffff, v15, v15;
	v11 =	vperm.xlane v11, v0;
	v15, _, _ =	vpop (xrf1)  }
0x10c: {  	(xrf1) =	vsort.dscd.msk.f32 $0xffff, v9, v9;
	v9 =	vmax.f32 v18, v12;
	v12, _, _ =	vpop (xrf1)  }
0x10d: {  	v18 =	vmin.f32 v16, v14;
	v15 =	vperm.xlane v15, v0;
	(xrf1) =	vsort.dscd.msk.f32 $0xffff, v21, v21  }
0x10e: {  	(xrf1) =	vsort.dscd.msk.f32 $0xffff, v13, v13;
	v13 =	vmax.f32 v18, v20;
	v18 =	vmin.f32 v18, v20;
	v19, _, _ =	vpop (xrf1)  }
0x10f: {  	(xrf1) =	vsort.ascd.msk.f32 $0xffff, v10, v10;
	v10 =	vmax.f32 v16, v14;
	v20 =	vperm.xlane v19, v0;
	v16, _, _ =	vpop (xrf1)  }
0x110: {  	(xrf1) =	vsort.ascd.msk.f32 $0xffff, v17, v17;
	v17 =	vmax.f32 v10, v9;
	v19, _, _ =	vpop (xrf1)  }
0x111: {  	v9 =	vmin.f32 v10, v9;
	v10 =	vperm.xlane v12, v0;
	(xrf1) =	vsort.dscd.msk.f32 $0xffff, v18, v18;
	v12, _, _ =	vpop (xrf1)  }
0x112: {  	(xrf1) =	vsort.dscd.msk.f32 $0xffff, v13, v13;
	v13 =	vmax.f32 v16, v15;
	v12 =	vmax.f32 v12, v20;
	v14, _, _ =	vpop (xrf1)  }
.Ltmp1:
0x113: {  	v11 =	vmax.f32 v19, v11;
	(xrf1) =	vsort.dscd.msk.f32 $0xffff, v17, v17;
	v10 =	vmax.f32 v14, v10;
	(pc) =	sbr.rel @p0 .LBB2_4-.Ltmp1, $4  }
0x114: {  	v14 =	vmax.f32 v11, v12;
	v12 =	vmin.f32 v11, v12;
	v11 =	vmax.f32 v13, v10  }
0x115: {  	(xrf1) =	vsort.dscd.msk.f32 $0xffff, v9, v9;
	v15 =	vmax.f32 v14, v11;
	v11 =	vmin.f32 v14, v11  }
0x116: {  	v10 =	vmin.f32 v13, v10;
	(xrf1) =	vsort.dscd.msk.f32 $0xffff, v11, v11  }
0x117: {  	v11 =	vmax.f32 v12, v10;
	v10 =	vmin.f32 v12, v10;
	v9, _, _ =	vpop (xrf1);
	(xrf1) =	vsort.dscd.msk.f32 $0xffff, v15, v15  }
0x118: {  	s19 =	sshra.s32 s20, $0x2;
	v12, _, _ =	vpop (xrf1);
	(xrf1) =	vsort.dscd.msk.f32 $0xffff, v11, v11  }
0x119: {  	v11 =	vld [tilespmem:s19+$0x8030];
	v13, _, _ =	vpop (xrf1);
	(xrf1) =	vsort.dscd.msk.f32 $0xffff, v10, v10  }
0x11a: {  	v10, _, _ =	vpop (xrf1)  }
0x11b: {  	v14 =	vld [tilespmem:s19+$0x8010];
	v15, _, _ =	vpop (xrf1)  }
0x11c: {  	v9 =	vperm.xlane v9, v0;
	v16, _, _ =	vpop (xrf1)  }
0x11d: {  	v12 =	vperm.xlane v12, v0;
	v17, _, _ =	vpop (xrf1)  }
0x11e: {  	v13 =	vperm.xlane v13, v0;
	(xrf1) =	vsort.ascd.msk.f32 $0xffff, v11, v11;
	v11 =	vmax.f32 v17, v9  }
0x11f: {  	v18 =	vld [tilespmem:s19+$0x8020];
	v10 =	vperm.xlane v10, v0;
	v20, _, _ =	vpop (xrf1);
	v9 =	vmin.f32 v17, v9;
	(xrf1) =	vsort.dscd.msk.f32 $0xffff, v11, v11  }
0x120: {  	v11 =	vld [tilespmem:s19+$0x8000];
	v17 =	vmax.f32 v20, v13;
	v21, _, _ =	vpop (xrf1);
	v13 =	vmin.f32 v20, v13;
	(xrf1) =	vsort.ascd.msk.f32 $0xffff, v14, v14  }
0x121: {  	v19 =	vmin.f32 v16, v12;
	v12 =	vmax.f32 v16, v12;
	v14, _, _ =	vpop (xrf1);
	(xrf1) =	vsort.dscd.msk.f32 $0xffff, v9, v9  }
0x122: {  	v16, _, _ =	vpop (xrf1);
	v14 =	vperm.xlane v14, v0;
	(xrf1) =	vsort.dscd.msk.f32 $0xffff, v17, v17;
	v17 =	vmin.f32 v15, v10  }
0x123: {  	(xrf1) =	vsort.dscd.msk.f32 $0xffff, v13, v13;
	v13, _, _ =	vpop (xrf1);
	v20 =	vmax.f32 v17, v19;
	v17 =	vmin.f32 v17, v19  }
0x124: {  	v9 =	vperm.xlane v21, v0;
	v10 =	vmax.f32 v15, v10;
	(xrf1) =	vsort.ascd.msk.f32 $0xffff, v18, v18;
	v18, _, _ =	vpop (xrf1)  }
0x125: {  	v16 =	vperm.xlane v16, v0;
	v15 =	vmax.f32 v10, v12;
	(xrf1) =	vsort.ascd.msk.f32 $0xffff, v11, v11;
	v11, _, _ =	vpop (xrf1)  }
0x126: {  	v10 =	vmin.f32 v10, v12;
	v13 =	vperm.xlane v13, v0;
	(xrf1) =	vsort.dscd.msk.f32 $0xffff, v17, v17;
	v17, _, _ =	vpop (xrf1)  }
0x127: {  	v12 =	vmax.f32 v18, v14;
	v9 =	vmax.f32 v11, v9;
	(xrf1) =	vsort.dscd.msk.f32 $0xffff, v20, v20;
	v14, _, _ =	vpop (xrf1)  }
0x128: {  	v13 =	vmax.f32 v17, v13;
	v11 =	vmax.f32 v14, v16;
	(xrf1) =	vsort.dscd.msk.f32 $0xffff, v15, v15  }
0x129: {  	v14 =	vmax.f32 v9, v13;
	v9 =	vmin.f32 v9, v13;
	v15 =	vmax.f32 v12, v11  }
0x12a: {  	(xrf1) =	vsort.dscd.msk.f32 $0xffff, v10, v10;
	v11 =	vmin.f32 v12, v11;
	v10 =	vmin.f32 v14, v15  }
0x12b: {  	(xrf1) =	vsort.dscd.msk.f32 $0xffff, v10, v10;
	v10 =	vmax.f32 v9, v11  }
0x12c: {  	v13 =	vmax.f32 v14, v15;
	v9 =	vmin.f32 v9, v11  }
0x12d: {  	(xrf1) =	vsort.dscd.msk.f32 $0xffff, v13, v13;
	v12, _, _ =	vpop (xrf1)  }
0x12e: {  	(xrf1) =	vsort.dscd.msk.f32 $0xffff, v10, v10;
	v10, _, _ =	vpop (xrf1)  }
0x12f: {  	(xrf1) =	vsort.dscd.msk.f32 $0xffff, v9, v9;
	v9, _, _ =	vpop (xrf1)  }
0x130: {  	v11, _, _ =	vpop (xrf1)  }
0x131: {  	v13, _, _ =	vpop (xrf1)  }
0x132: {  	v12 =	vperm.xlane v12, v0;
	v14, _, _ =	vpop (xrf1)  }
0x133: {  	v15, _, _ =	vpop (xrf1)  }
0x134: {  	v10 =	vperm.xlane v10, v0;
	v18 =	vmax.f32 v15, v12  }
0x135: {  	v9 =	vperm.xlane v9, v0;
	v16, _, _ =	vpop (xrf1);
	v12 =	vmin.f32 v15, v12  }
0x136: {  	v11 =	vperm.xlane v11, v0;
	v17 =	vmin.f32 v14, v10;
	v15, _, _ =	vpop (xrf1);
	(xrf1) =	vsort.dscd.msk.f32 $0xffff, v18, v18  }
0x137: {  	v10 =	vmax.f32 v14, v10;
	v19 =	vmax.f32 v16, v9;
	v18, _, _ =	vpop (xrf1);
	(xrf1) =	vsort.dscd.msk.f32 $0xffff, v12, v12  }
0x138: {  	v14 =	vmin.f32 v13, v11;
	v9 =	vmin.f32 v16, v9;
	v12, _, _ =	vpop (xrf1);
	(xrf1) =	vsort.dscd.msk.f32 $0xffff, v19, v19  }
0x139: {  	v16, _, _ =	vpop (xrf1);
	(xrf1) =	vsort.dscd.msk.f32 $0xffff, v9, v9;
	v9 =	vmax.f32 v14, v17;
	v14 =	vmin.f32 v14, v17  }
0x13a: {  	v11 =	vmax.f32 v13, v11;
	v15 =	vperm.xlane v15, v0;
	v19, _, _ =	vpop (xrf1)  }
0x13b: {  	v18 =	vperm.xlane v18, v0;
	v13 =	vperm.xlane v16, v0;
	v16, _, _ =	vpop (xrf1)  }
0x13c: {  	v17 =	vmax.f32 v11, v10;
	v12 =	vperm.xlane v12, v0;
	(xrf1) =	vsort.dscd.msk.f32 $0xffff, v14, v14;
	v14, _, _ =	vpop (xrf1)  }
0x13d: {  	v10 =	vmin.f32 v11, v10;
	(xrf1) =	vsort.dscd.msk.f32 $0xffff, v9, v9;
	v9 =	vmax.f32 v19, v18;
	v11, _, _ =	vpop (xrf1)  }
0x13e: {  	v13 =	vmax.f32 v14, v13;
	v14 =	vmax.f32 v16, v15;
	v11 =	vmax.f32 v11, v12  }
0x13f: {  	(xrf1) =	vsort.dscd.msk.f32 $0xffff, v17, v17;
	v12 =	vmax.f32 v14, v13;
	v15 =	vmax.f32 v9, v11  }
0x140: {  	(xrf1) =	vsort.dscd.msk.f32 $0xffff, v10, v10;
	v13 =	vmin.f32 v14, v13;
	v10 =	vmin.f32 v12, v15  }
0x141: {  	v9 =	vmin.f32 v9, v11;
	v12 =	vmax.f32 v12, v15;
	(xrf1) =	vsort.dscd.msk.f32 $0xffff, v10, v10  }
0x142: {  	v10 =	vmax.f32 v13, v9;
	(xrf1) =	vsort.dscd.msk.f32 $0xffff, v12, v12  }
0x143: {  	v9 =	vmin.f32 v13, v9;
	(xrf1) =	vsort.dscd.msk.f32 $0xffff, v10, v10  }
0x144: {  	(xrf1) =	vsort.dscd.msk.f32 $0xffff, v9, v9;
	_ =	sdelay $0x2  }
0x145: {  	v9, _, _ =	vpop (xrf1)  }
0x146: {  	v10, _, _ =	vpop (xrf1)  }
0x147: {  	v11, _, _ =	vpop (xrf1)  }
0x148: {  	v12, _, _ =	vpop (xrf1)  }
0x149: {  	v9 =	vperm.xlane v9, v0;
	v10 =	vperm.xlane v10, v0;
	v13, _, _ =	vpop (xrf1)  }
0x14a: {  	v14, _, _ =	vpop (xrf1)  }
0x14b: {  	v16 =	vmin.f32 v12, v9;
	v17 =	vmin.f32 v11, v10;
	v9 =	vmax.f32 v12, v9;
	v15, _, _ =	vpop (xrf1)  }
0x14c: {  	v12 =	vperm.xlane v14, v0;
	v14 =	vmax.f32 v17, v16;
	v16 =	vmin.f32 v17, v16;
	v18, _, _ =	vpop (xrf1)  }
0x14d: {  	v19, _, _ =	vpop (xrf1)  }
0x14e: {  	v10 =	vmax.f32 v11, v10;
	v13 =	vperm.xlane v13, v0;
	(xrf1) =	vsort.dscd.msk.f32 $0xffff, v16, v16;
	v17, _, _ =	vpop (xrf1)  }
0x14f: {  	v15 =	vperm.xlane v15, v0;
	v11 =	vperm.xlane v18, v0;
	v18 =	vmax.f32 v10, v9;
	v16, _, _ =	vpop (xrf1)  }
0x150: {  	v9 =	vmin.f32 v10, v9;
	(xrf1) =	vsort.dscd.msk.f32 $0xffff, v14, v14;
	v10 =	vmax.f32 v19, v12;
	v12, _, _ =	vpop (xrf1)  }
0x151: {  	v13 =	vmax.f32 v17, v13;
	v11 =	vmax.f32 v16, v11;
	v12 =	vmax.f32 v12, v15  }
0x152: {  	(xrf1) =	vsort.dscd.msk.f32 $0xffff, v18, v18;
	v14 =	vmax.f32 v13, v11;
	v15 =	vmax.f32 v10, v12  }
0x153: {  	(xrf1) =	vsort.dscd.msk.f32 $0xffff, v9, v9;
	v11 =	vmin.f32 v13, v11;
	v9 =	vmin.f32 v14, v15  }
0x154: {  	v10 =	vmin.f32 v10, v12;
	v13 =	vmax.f32 v14, v15;
	(xrf1) =	vsort.dscd.msk.f32 $0xffff, v9, v9  }
0x155: {  	v9 =	vmax.f32 v11, v10;
	(xrf1) =	vsort.dscd.msk.f32 $0xffff, v13, v13  }
0x156: {  	v10 =	vmin.f32 v11, v10;
	(xrf1) =	vsort.dscd.msk.f32 $0xffff, v9, v9  }
0x157: {  	(xrf1) =	vsort.dscd.msk.f32 $0xffff, v10, v10;
	_ =	sdelay $0x6  }
0x158: {  	v9, _, _ =	vpop (xrf1)  }
0x159: {  	v10, _, _ =	vpop (xrf1)  }
0x15a: {  	v11, _, _ =	vpop (xrf1)  }
0x15b: {  	v12, _, _ =	vpop (xrf1)  }
0x15c: {  	v13, _, _ =	vpop (xrf1)  }
0x15d: {  	v9 =	vperm.xlane v9, v0;
	v10 =	vperm.xlane v10, v0;
	v14, _, _ =	vpop (xrf1)  }
0x15e: {  	v11 =	vperm.xlane v11, v0;
	v12 =	vperm.xlane v12, v0;
	v15, _, _ =	vpop (xrf1)  }
0x15f: {  	v10 =	vmax.f32 v13, v10;
	v13, _, _ =	vpop (xrf1)  }
0x160: {  	v9 =	vmax.f32 v14, v9;
	v12 =	vmax.f32 v15, v12;
	v11 =	vmax.f32 v13, v11  }
0x161: {  	v13 =	vmax.f32 v9, v12;
	v14 =	vmax.f32 v10, v11  }
0x162: {  	v9 =	vmin.f32 v9, v12;
	v12 =	vmin.f32 v13, v14  }
0x163: {  	v10 =	vmin.f32 v10, v11;
	v13 =	vmax.f32 v13, v14;
	(xrf1) =	vsort.dscd.msk.f32 $0xffff, v12, v12  }
0x164: {  	v11 =	vmax.f32 v9, v10;
	(xrf1) =	vsort.dscd.msk.f32 $0xffff, v13, v13  }
0x165: {  	v9 =	vmin.f32 v9, v10;
	(xrf1) =	vsort.dscd.msk.f32 $0xffff, v11, v11  }
0x166: {  	(xrf1) =	vsort.dscd.msk.f32 $0xffff, v9, v9;
	_ =	sdelay $0xa  }
0x167: {  	v13, _, _ =	vpop (xrf1)  }
0x168: {  	v15 =	vld [tilespmem:$0x10090];
	v16, _, _ =	vpop (xrf1)  }
0x169: {  	v14 =	vld [tilespmem:$0x10080];
	v11, _, _ =	vpop (xrf1)  }
0x16a: {  	v10 =	vld [tilespmem:$0x100B0];
	v9, _, _ =	vpop (xrf1)  }
0x16b: {  	v12 =	vld [tilespmem:$0x100A0];
	_ =	swait.ge [sflag:s14], $0x8000  }
0x16c: {  	[sflag:s14] =	ssyncset.done $0x0  }
0x16d: {  	s28 =	simm.s32 $0x0;
	[sflag:s14] =	ssyncadd.s32 $0xFFFF8000  }
0x16e: {  	[tilespmem:s15], [sflag:$0x2] =	stream.strided.gather [hbm4b:s7+s12], $0x8000, s13, s12, $0x38;
	[tilespmem:$0x10280] =	vst v63  }
0x16f: {  	v17 =	vld [tilespmem:s28+$0x30]  }
0x170: {  	v18 =	vld [tilespmem:s28+$0x10]  }
0x171: {  	v19 =	vld [tilespmem:s28+$0x20];
	_ =	sdelay $0x2  }
0x172: {  	v20 =	vld [tilespmem:s28+$0x0];
	(xrf1) =	vsort.ascd.msk.f32 $0xffff, v17, v17  }
0x173: {  	(xrf1) =	vsort.ascd.msk.f32 $0xffff, v18, v18  }
0x174: {  	(xrf1) =	vsort.ascd.msk.f32 $0xffff, v19, v19;
	_ =	sdelay $0x2  }
0x175: {  	(xrf1) =	vsort.ascd.msk.f32 $0xffff, v20, v20;
	_ =	sdelay $0x5  }
0x176: {  	s29 =	simm.s32 $0x40  }
0x177: {  	v17 =	vld [tilespmem:s29+$0x30];
	_ =	sdelay $0x1  }
0x178: {  	v19 =	vld [tilespmem:s29+$0x10];
	v18, _, _ =	vpop (xrf1)  }
0x179: {  	v20, _, _ =	vpop (xrf1);
	v18 =	vperm.xlane v18, v0  }
0x17a: {  	v41, _, _ =	vpop (xrf1)  }
0x17b: {  	(xrf1) =	vsort.ascd.msk.f32 $0xffff, v17, v17;
	v17 =	vmax.f32 v41, v18  }
0x17c: {  	v22 =	vld [tilespmem:s29+$0x20];
	v20 =	vperm.xlane v20, v0;
	(xrf1) =	vsort.dscd.msk.f32 $0xffff, v17, v17  }
0x17d: {  	v17 =	vmin.f32 v41, v18;
	v18, _, _ =	vpop (xrf1);
	(xrf1) =	vsort.ascd.msk.f32 $0xffff, v19, v19  }
0x17e: {  	v19 =	vmax.f32 v18, v20;
	(xrf1) =	vsort.dscd.msk.f32 $0xffff, v17, v17  }
0x17f: {  	v18 =	vmin.f32 v18, v20;
	(xrf1) =	vsort.dscd.msk.f32 $0xffff, v19, v19  }
0x180: {  	v17 =	vld [tilespmem:s29+$0x0];
	(xrf1) =	vsort.dscd.msk.f32 $0xffff, v18, v18  }
0x181: {  	(xrf1) =	vsort.ascd.msk.f32 $0xffff, v22, v22;
	_ =	sdelay $0x3  }
0x182: {  	(xrf1) =	vsort.ascd.msk.f32 $0xffff, v17, v17;
	_ =	sdelay $0x3  }
0x183: {  	v17, _, _ =	vpop (xrf1)  }
0x184: {  	s30 =	simm.s32 $0x80;
	v18, _, _ =	vpop (xrf1)  }
0x185: {  	v19 =	vld [tilespmem:s30+$0x30];
	v20, _, _ =	vpop (xrf1)  }
0x186: {  	v42, _, _ =	vpop (xrf1)  }
0x187: {  	v23, _, _ =	vpop (xrf1)  }
0x188: {  	v43 =	vld [tilespmem:s30+$0x10];
	v17 =	vperm.xlane v17, v0;
	v24, _, _ =	vpop (xrf1)  }
0x189: {  	v25, _, _ =	vpop (xrf1)  }
0x18a: {  	(xrf1) =	vsort.ascd.msk.f32 $0xffff, v19, v19;
	v19 =	vmax.f32 v25, v17;
	_ =	sdelay $0x1  }
0x18b: {  	v26 =	vld [tilespmem:s30+$0x20];
	v20 =	vperm.xlane v20, v0;
	(xrf1) =	vsort.dscd.msk.f32 $0xffff, v19, v19  }
0x18c: {  	v17 =	vmin.f32 v25, v17;
	(xrf1) =	vsort.ascd.msk.f32 $0xffff, v43, v43;
	v19, _, _ =	vpop (xrf1)  }
0x18d: {  	v44 =	vld [tilespmem:s30+$0x0];
	(xrf1) =	vsort.dscd.msk.f32 $0xffff, v17, v17;
	v45 =	vmax.f32 v19, v20  }
0x18e: {  	v17 =	vmin.f32 v19, v20;
	(xrf1) =	vsort.dscd.msk.f32 $0xffff, v45, v45  }
0x18f: {  	(xrf1) =	vsort.dscd.msk.f32 $0xffff, v17, v17;
	v17 =	vperm.xlane v18, v0;
	v18 =	vperm.xlane v42, v0  }
0x190: {  	(xrf1) =	vsort.ascd.msk.f32 $0xffff, v26, v26  }
0x191: {  	v19 =	vmin.f32 v24, v17;
	v20 =	vmin.f32 v23, v18  }
0x192: {  	(xrf1) =	vsort.ascd.msk.f32 $0xffff, v44, v44;
	v17 =	vmax.f32 v24, v17;
	v46 =	vmin.f32 v20, v19  }
0x193: {  	v18 =	vmax.f32 v23, v18;
	v19 =	vmax.f32 v20, v19;
	(xrf1) =	vsort.dscd.msk.f32 $0xffff, v46, v46  }
0x194: {  	v20 =	vmax.f32 v18, v17;
	(xrf1) =	vsort.dscd.msk.f32 $0xffff, v19, v19  }
0x195: {  	v17 =	vmin.f32 v18, v17;
	(xrf1) =	vsort.dscd.msk.f32 $0xffff, v20, v20  }
0x196: {  	(xrf1) =	vsort.dscd.msk.f32 $0xffff, v17, v17;
	_ =	sdelay $0x1  }
0x197: {  	v17, _, _ =	vpop (xrf1)  }
0x198: {  	s31 =	simm.s32 $0xC0;
	v18, _, _ =	vpop (xrf1)  }
0x199: {  	v19 =	vld [tilespmem:s31+$0x30];
	v20, _, _ =	vpop (xrf1)  }
0x19a: {  	v47, _, _ =	vpop (xrf1)  }
0x19b: {  	v48 =	vld [tilespmem:s31+$0x10];
	v49, _, _ =	vpop (xrf1)  }
0x19c: {  	v17 =	vperm.xlane v17, v0;
	v50, _, _ =	vpop (xrf1)  }
0x19d: {  	v18 =	vperm.xlane v18, v0;
	v21 =	vperm.xlane v47, v0;
	v51, _, _ =	vpop (xrf1)  }
0x19e: {  	(xrf1) =	vsort.ascd.msk.f32 $0xffff, v19, v19;
	v20 =	vperm.xlane v20, v0;
	v19 =	vmax.f32 v51, v17  }
0x19f: {  	v52 =	vld [tilespmem:s31+$0x20];
	v57 =	vmin.f32 v49, v21;
	v21 =	vmax.f32 v49, v21;
	v28, _, _ =	vpop (xrf1);
	(xrf1) =	vsort.dscd.msk.f32 $0xffff, v19, v19  }
0x1a0: {  	v27 =	vmin.f32 v50, v18;
	v17 =	vmin.f32 v51, v17;
	v19 =	vld [tilespmem:s31+$0x0];
	(xrf1) =	vsort.ascd.msk.f32 $0xffff, v48, v48;
	v54, _, _ =	vpop (xrf1)  }
0x1a1: {  	v18 =	vmax.f32 v50, v18;
	v53 =	vmax.f32 v28, v20;
	(xrf1) =	vsort.dscd.msk.f32 $0xffff, v17, v17;
	v55, _, _ =	vpop (xrf1)  }
0x1a2: {  	v25 =	vmin.f32 v57, v27;
	v20 =	vmin.f32 v28, v20;
	(xrf1) =	vsort.dscd.msk.f32 $0xffff, v53, v53;
	v56, _, _ =	vpop (xrf1)  }
0x1a3: {  	v60 =	vmax.f32 v21, v18;
	v17 =	vperm.xlane v54, v0;
	(xrf1) =	vsort.dscd.msk.f32 $0xffff, v20, v20;
	v58, _, _ =	vpop (xrf1)  }
0x1a4: {  	v22 =	vperm.xlane v55, v0;
	(xrf1) =	vsort.ascd.msk.f32 $0xffff, v52, v52;
	v59 =	vperm.xlane v58, v0  }
0x1a5: {  	v20 =	vmax.f32 v57, v27;
	v24 =	vperm.xlane v56, v0;
	(xrf1) =	vsort.ascd.msk.f32 $0xffff, v19, v19;
	v19 =	vimm.f32 $-Inf  }
0x1a6: {  	(xrf1) =	vsort.dscd.msk.f32 $0xffff, v25, v25;
	v61 =	vmax.f32 v19, v59;
	v17 =	vmax.f32 v19, v17  }
0x1a7: {  	(xrf1) =	vsort.dscd.msk.f32 $0xffff, v20, v20;
	v20 =	vmax.f32 v19, v22;
	v19 =	vmax.f32 v19, v24  }
0x1a8: {  	v18 =	vmin.f32 v21, v18;
	v62 =	vmax.f32 v17, v61;
	v63 =	vmax.f32 v20, v19  }
0x1a9: {  	v21 =	vmin.f32 v17, v61;
	(xrf1) =	vsort.dscd.msk.f32 $0xffff, v60, v60;
	v17 =	vmin.f32 v62, v63  }
0x1aa: {  	(xrf1) =	vsort.dscd.msk.f32 $0xffff, v18, v18  }
0x1ab: {  	v22 =	vmax.f32 v62, v63;
	v18 =	vmin.f32 v20, v19;
	(xrf1) =	vsort.dscd.msk.f32 $0xffff, v17, v17  }
0x1ac: {  	s20 =	simm.s32 $0x400;
	s19 =	simm.s32 $0x500;
	v19 =	vmax.f32 v21, v18;
	v18 =	vmin.f32 v21, v18;
	(xrf1) =	vsort.dscd.msk.f32 $0xffff, v22, v22;
	v17, _, _ =	vpop (xrf1)  }
.LBB2_6:
0x1ad: {  	p0 =	sne.s32 s19, $0x1FF00  }
0x1ae: {  	s21 =	sshra.s32 s20, $0x2;
	v20, _, _ =	vpop (xrf1);
	(xrf1) =	vsort.dscd.msk.f32 $0xffff, v19, v19;
	s20 =	smov.u32 s19;
	s19 =	sadd.s32 $0x100, s19  }
0x1af: {  	v19 =	vld [tilespmem:s21+$0x30];
	v21, _, _ =	vpop (xrf1);
	v20 =	vperm.xlane v20, v0;
	(xrf1) =	vsort.dscd.msk.f32 $0xffff, v18, v18  }
0x1b0: {  	v18 =	vld [tilespmem:s21+$0x20];
	v22, _, _ =	vpop (xrf1)  }
0x1b1: {  	v23 =	vld [tilespmem:s21+$0x10];
	v24, _, _ =	vpop (xrf1)  }
0x1b2: {  	v17 =	vperm.xlane v17, v0;
	v25 =	vld [tilespmem:s21+$0x0];
	v26, _, _ =	vpop (xrf1)  }
0x1b3: {  	v21 =	vperm.xlane v21, v0;
	v27, _, _ =	vpop (xrf1);
	v28 =	vmin.f32 v26, v20  }
0x1b4: {  	(xrf1) =	vsort.ascd.msk.f32 $0xffff, v19, v19;
	v30 =	vmax.f32 v27, v17;
	v17 =	vmin.f32 v27, v17;
	v27, _, _ =	vpop (xrf1)  }
0x1b5: {  	v29 =	vmax.f32 v27, v21;
	v21 =	vmin.f32 v27, v21;
	(xrf1) =	vsort.dscd.msk.f32 $0xffff, v30, v30;
	v19, _, _ =	vpop (xrf1)  }
0x1b6: {  	v22 =	vperm.xlane v22, v0;
	(xrf1) =	vsort.ascd.msk.f32 $0xffff, v23, v23;
	v19 =	vperm.xlane v19, v0;
	v23, _, _ =	vpop (xrf1)  }
0x1b7: {  	(xrf1) =	vsort.dscd.msk.f32 $0xffff, v17, v17;
	v17 =	vmax.f32 v26, v20;
	v20, _, _ =	vpop (xrf1)  }
0x1b8: {  	v26 =	vmin.f32 v24, v22;
	v23 =	vperm.xlane v23, v0;
	(xrf1) =	vsort.dscd.msk.f32 $0xffff, v29, v29  }
0x1b9: {  	(xrf1) =	vsort.dscd.msk.f32 $0xffff, v21, v21;
	v21 =	vmax.f32 v26, v28;
	v26 =	vmin.f32 v26, v28;
	v27, _, _ =	vpop (xrf1)  }
0x1ba: {  	(xrf1) =	vsort.ascd.msk.f32 $0xffff, v18, v18;
	v18 =	vmax.f32 v24, v22;
	v28 =	vperm.xlane v27, v0;
	v24, _, _ =	vpop (xrf1)  }
0x1bb: {  	(xrf1) =	vsort.ascd.msk.f32 $0xffff, v25, v25;
	v25 =	vmax.f32 v18, v17;
	v27, _, _ =	vpop (xrf1)  }
0x1bc: {  	v17 =	vmin.f32 v18, v17;
	v18 =	vperm.xlane v20, v0;
	(xrf1) =	vsort.dscd.msk.f32 $0xffff, v26, v26;
	v20, _, _ =	vpop (xrf1)  }
0x1bd: {  	(xrf1) =	vsort.dscd.msk.f32 $0xffff, v21, v21;
	v21 =	vmax.f32 v24, v23;
	v20 =	vmax.f32 v20, v28;
	v22, _, _ =	vpop (xrf1)  }
.Ltmp2:
0x1be: {  	v19 =	vmax.f32 v27, v19;
	(xrf1) =	vsort.dscd.msk.f32 $0xffff, v25, v25;
	v18 =	vmax.f32 v22, v18;
	(pc) =	sbr.rel @p0 .LBB2_6-.Ltmp2, $4  }
0x1bf: {  	v22 =	vmax.f32 v19, v20;
	v20 =	vmin.f32 v19, v20;
	v19 =	vmax.f32 v21, v18  }
0x1c0: {  	(xrf1) =	vsort.dscd.msk.f32 $0xffff, v17, v17;
	v23 =	vmax.f32 v22, v19;
	v19 =	vmin.f32 v22, v19  }
0x1c1: {  	v18 =	vmin.f32 v21, v18;
	(xrf1) =	vsort.dscd.msk.f32 $0xffff, v19, v19  }
0x1c2: {  	v19 =	vmax.f32 v20, v18;
	v18 =	vmin.f32 v20, v18;
	v17, _, _ =	vpop (xrf1);
	(xrf1) =	vsort.dscd.msk.f32 $0xffff, v23, v23  }
0x1c3: {  	s19 =	sshra.s32 s20, $0x2;
	v20, _, _ =	vpop (xrf1);
	(xrf1) =	vsort.dscd.msk.f32 $0xffff, v19, v19  }
0x1c4: {  	v19 =	vld [tilespmem:s19+$0x30];
	v21, _, _ =	vpop (xrf1);
	(xrf1) =	vsort.dscd.msk.f32 $0xffff, v18, v18  }
0x1c5: {  	v18, _, _ =	vpop (xrf1)  }
0x1c6: {  	v22 =	vld [tilespmem:s19+$0x10];
	v23, _, _ =	vpop (xrf1)  }
0x1c7: {  	v17 =	vperm.xlane v17, v0;
	v24, _, _ =	vpop (xrf1)  }
0x1c8: {  	v20 =	vperm.xlane v20, v0;
	v25, _, _ =	vpop (xrf1)  }
0x1c9: {  	v21 =	vperm.xlane v21, v0;
	(xrf1) =	vsort.ascd.msk.f32 $0xffff, v19, v19;
	v19 =	vmax.f32 v25, v17  }
0x1ca: {  	v26 =	vld [tilespmem:s19+$0x20];
	v18 =	vperm.xlane v18, v0;
	v28, _, _ =	vpop (xrf1);
	v17 =	vmin.f32 v25, v17;
	(xrf1) =	vsort.dscd.msk.f32 $0xffff, v19, v19  }
0x1cb: {  	v19 =	vld [tilespmem:s19+$0x0];
	v25 =	vmax.f32 v28, v21;
	v29, _, _ =	vpop (xrf1);
	v21 =	vmin.f32 v28, v21;
	(xrf1) =	vsort.ascd.msk.f32 $0xffff, v22, v22  }
0x1cc: {  	v27 =	vmin.f32 v24, v20;
	v20 =	vmax.f32 v24, v20;
	v22, _, _ =	vpop (xrf1);
	(xrf1) =	vsort.dscd.msk.f32 $0xffff, v17, v17  }
0x1cd: {  	v24, _, _ =	vpop (xrf1);
	v22 =	vperm.xlane v22, v0;
	(xrf1) =	vsort.dscd.msk.f32 $0xffff, v25, v25;
	v25 =	vmin.f32 v23, v18  }
0x1ce: {  	(xrf1) =	vsort.dscd.msk.f32 $0xffff, v21, v21;
	v21, _, _ =	vpop (xrf1);
	v28 =	vmax.f32 v25, v27;
	v25 =	vmin.f32 v25, v27  }
0x1cf: {  	v17 =	vperm.xlane v29, v0;
	v18 =	vmax.f32 v23, v18;
	(xrf1) =	vsort.ascd.msk.f32 $0xffff, v26, v26;
	v26, _, _ =	vpop (xrf1)  }
0x1d0: {  	v24 =	vperm.xlane v24, v0;
	v23 =	vmax.f32 v18, v20;
	(xrf1) =	vsort.ascd.msk.f32 $0xffff, v19, v19;
	v19, _, _ =	vpop (xrf1)  }
0x1d1: {  	v18 =	vmin.f32 v18, v20;
	v21 =	vperm.xlane v21, v0;
	(xrf1) =	vsort.dscd.msk.f32 $0xffff, v25, v25;
	v25, _, _ =	vpop (xrf1)  }
0x1d2: {  	v20 =	vmax.f32 v26, v22;
	v17 =	vmax.f32 v19, v17;
	(xrf1) =	vsort.dscd.msk.f32 $0xffff, v28, v28;
	v22, _, _ =	vpop (xrf1)  }
0x1d3: {  	v21 =	vmax.f32 v25, v21;
	v19 =	vmax.f32 v22, v24;
	(xrf1) =	vsort.dscd.msk.f32 $0xffff, v23, v23  }
0x1d4: {  	v22 =	vmax.f32 v17, v21;
	v17 =	vmin.f32 v17, v21;
	v23 =	vmax.f32 v20, v19  }
0x1d5: {  	(xrf1) =	vsort.dscd.msk.f32 $0xffff, v18, v18;
	v19 =	vmin.f32 v20, v19;
	v18 =	vmin.f32 v22, v23  }
0x1d6: {  	(xrf1) =	vsort.dscd.msk.f32 $0xffff, v18, v18;
	v18 =	vmax.f32 v17, v19  }
0x1d7: {  	v21 =	vmax.f32 v22, v23;
	v17 =	vmin.f32 v17, v19  }
0x1d8: {  	(xrf1) =	vsort.dscd.msk.f32 $0xffff, v21, v21;
	v20, _, _ =	vpop (xrf1)  }
0x1d9: {  	(xrf1) =	vsort.dscd.msk.f32 $0xffff, v18, v18;
	v18, _, _ =	vpop (xrf1)  }
0x1da: {  	(xrf1) =	vsort.dscd.msk.f32 $0xffff, v17, v17;
	v17, _, _ =	vpop (xrf1)  }
0x1db: {  	v19, _, _ =	vpop (xrf1)  }
0x1dc: {  	v21, _, _ =	vpop (xrf1)  }
0x1dd: {  	v20 =	vperm.xlane v20, v0;
	v22, _, _ =	vpop (xrf1)  }
0x1de: {  	v23, _, _ =	vpop (xrf1)  }
0x1df: {  	v18 =	vperm.xlane v18, v0;
	v26 =	vmax.f32 v23, v20  }
0x1e0: {  	v17 =	vperm.xlane v17, v0;
	v24, _, _ =	vpop (xrf1);
	v20 =	vmin.f32 v23, v20  }
0x1e1: {  	v19 =	vperm.xlane v19, v0;
	v25 =	vmin.f32 v22, v18;
	v23, _, _ =	vpop (xrf1);
	(xrf1) =	vsort.dscd.msk.f32 $0xffff, v26, v26  }
0x1e2: {  	v18 =	vmax.f32 v22, v18;
	v27 =	vmax.f32 v24, v17;
	v26, _, _ =	vpop (xrf1);
	(xrf1) =	vsort.dscd.msk.f32 $0xffff, v20, v20  }
0x1e3: {  	v22 =	vmin.f32 v21, v19;
	v17 =	vmin.f32 v24, v17;
	v20, _, _ =	vpop (xrf1);
	(xrf1) =	vsort.dscd.msk.f32 $0xffff, v27, v27  }
0x1e4: {  	v24, _, _ =	vpop (xrf1);
	(xrf1) =	vsort.dscd.msk.f32 $0xffff, v17, v17;
	v17 =	vmax.f32 v22, v25;
	v22 =	vmin.f32 v22, v25  }
0x1e5: {  	v19 =	vmax.f32 v21, v19;
	v23 =	vperm.xlane v23, v0;
	v27, _, _ =	vpop (xrf1)  }
0x1e6: {  	v26 =	vperm.xlane v26, v0;
	v21 =	vperm.xlane v24, v0;
	v24, _, _ =	vpop (xrf1)  }
0x1e7: {  	v25 =	vmax.f32 v19, v18;
	v20 =	vperm.xlane v20, v0;
	(xrf1) =	vsort.dscd.msk.f32 $0xffff, v22, v22;
	v22, _, _ =	vpop (xrf1)  }
0x1e8: {  	v18 =	vmin.f32 v19, v18;
	(xrf1) =	vsort.dscd.msk.f32 $0xffff, v17, v17;
	v17 =	vmax.f32 v27, v26;
	v19, _, _ =	vpop (xrf1)  }
0x1e9: {  	v21 =	vmax.f32 v22, v21;
	v22 =	vmax.f32 v24, v23;
	v19 =	vmax.f32 v19, v20  }
0x1ea: {  	(xrf1) =	vsort.dscd.msk.f32 $0xffff, v25, v25;
	v20 =	vmax.f32 v22, v21;
	v23 =	vmax.f32 v17, v19  }
0x1eb: {  	(xrf1) =	vsort.dscd.msk.f32 $0xffff, v18, v18;
	v21 =	vmin.f32 v22, v21;
	v18 =	vmin.f32 v20, v23  }
0x1ec: {  	v17 =	vmin.f32 v17, v19;
	v20 =	vmax.f32 v20, v23;
	(xrf1) =	vsort.dscd.msk.f32 $0xffff, v18, v18  }
0x1ed: {  	v18 =	vmax.f32 v21, v17;
	(xrf1) =	vsort.dscd.msk.f32 $0xffff, v20, v20  }
0x1ee: {  	v17 =	vmin.f32 v21, v17;
	(xrf1) =	vsort.dscd.msk.f32 $0xffff, v18, v18  }
0x1ef: {  	(xrf1) =	vsort.dscd.msk.f32 $0xffff, v17, v17;
	_ =	sdelay $0x2  }
0x1f0: {  	v17, _, _ =	vpop (xrf1)  }
0x1f1: {  	v18, _, _ =	vpop (xrf1)  }
0x1f2: {  	v19, _, _ =	vpop (xrf1)  }
0x1f3: {  	v20, _, _ =	vpop (xrf1)  }
0x1f4: {  	v17 =	vperm.xlane v17, v0;
	v18 =	vperm.xlane v18, v0;
	v21, _, _ =	vpop (xrf1)  }
0x1f5: {  	v22, _, _ =	vpop (xrf1)  }
0x1f6: {  	v24 =	vmin.f32 v20, v17;
	v25 =	vmin.f32 v19, v18;
	v17 =	vmax.f32 v20, v17;
	v23, _, _ =	vpop (xrf1)  }
0x1f7: {  	v20 =	vperm.xlane v22, v0;
	v22 =	vmax.f32 v25, v24;
	v24 =	vmin.f32 v25, v24;
	v26, _, _ =	vpop (xrf1)  }
0x1f8: {  	v27, _, _ =	vpop (xrf1)  }
0x1f9: {  	v18 =	vmax.f32 v19, v18;
	v21 =	vperm.xlane v21, v0;
	(xrf1) =	vsort.dscd.msk.f32 $0xffff, v24, v24;
	v25, _, _ =	vpop (xrf1)  }
0x1fa: {  	v23 =	vperm.xlane v23, v0;
	v19 =	vperm.xlane v26, v0;
	v26 =	vmax.f32 v18, v17;
	v24, _, _ =	vpop (xrf1)  }
0x1fb: {  	v17 =	vmin.f32 v18, v17;
	(xrf1) =	vsort.dscd.msk.f32 $0xffff, v22, v22;
	v18 =	vmax.f32 v27, v20;
	v20, _, _ =	vpop (xrf1)  }
0x1fc: {  	v21 =	vmax.f32 v25, v21;
	v19 =	vmax.f32 v24, v19;
	v20 =	vmax.f32 v20, v23  }
0x1fd: {  	(xrf1) =	vsort.dscd.msk.f32 $0xffff, v26, v26;
	v22 =	vmax.f32 v21, v19;
	v23 =	vmax.f32 v18, v20  }
0x1fe: {  	(xrf1) =	vsort.dscd.msk.f32 $0xffff, v17, v17;
	v19 =	vmin.f32 v21, v19;
	v17 =	vmin.f32 v22, v23  }
0x1ff: {  	v18 =	vmin.f32 v18, v20;
	v21 =	vmax.f32 v22, v23;
	(xrf1) =	vsort.dscd.msk.f32 $0xffff, v17, v17  }
0x200: {  	v17 =	vmax.f32 v19, v18;
	(xrf1) =	vsort.dscd.msk.f32 $0xffff, v21, v21  }
0x201: {  	v18 =	vmin.f32 v19, v18;
	(xrf1) =	vsort.dscd.msk.f32 $0xffff, v17, v17  }
0x202: {  	(xrf1) =	vsort.dscd.msk.f32 $0xffff, v18, v18;
	_ =	sdelay $0x6  }
0x203: {  	v17, _, _ =	vpop (xrf1)  }
0x204: {  	v18, _, _ =	vpop (xrf1)  }
0x205: {  	v19, _, _ =	vpop (xrf1)  }
0x206: {  	v20, _, _ =	vpop (xrf1)  }
0x207: {  	v21, _, _ =	vpop (xrf1)  }
0x208: {  	v17 =	vperm.xlane v17, v0;
	v18 =	vperm.xlane v18, v0;
	v22, _, _ =	vpop (xrf1)  }
0x209: {  	v19 =	vperm.xlane v19, v0;
	v20 =	vperm.xlane v20, v0;
	v23, _, _ =	vpop (xrf1)  }
0x20a: {  	v18 =	vmax.f32 v21, v18;
	v21, _, _ =	vpop (xrf1)  }
0x20b: {  	v17 =	vmax.f32 v22, v17;
	v20 =	vmax.f32 v23, v20;
	v19 =	vmax.f32 v21, v19  }
0x20c: {  	v21 =	vmax.f32 v17, v20;
	v22 =	vmax.f32 v18, v19  }
0x20d: {  	v17 =	vmin.f32 v17, v20;
	v20 =	vmin.f32 v21, v22  }
0x20e: {  	v18 =	vmin.f32 v18, v19;
	v21 =	vmax.f32 v21, v22;
	(xrf1) =	vsort.dscd.msk.f32 $0xffff, v20, v20  }
0x20f: {  	v19 =	vmax.f32 v17, v18;
	(xrf1) =	vsort.dscd.msk.f32 $0xffff, v21, v21  }
0x210: {  	v17 =	vmin.f32 v17, v18;
	(xrf1) =	vsort.dscd.msk.f32 $0xffff, v19, v19  }
0x211: {  	(xrf1) =	vsort.dscd.msk.f32 $0xffff, v17, v17;
	_ =	sdelay $0xa  }
0x212: {  	v21, _, _ =	vpop (xrf1)  }
0x213: {  	v23 =	vld [tilespmem:$0x10110];
	v24, _, _ =	vpop (xrf1)  }
0x214: {  	v22 =	vld [tilespmem:$0x10100];
	v19, _, _ =	vpop (xrf1)  }
0x215: {  	v18 =	vld [tilespmem:$0x10130];
	v17, _, _ =	vpop (xrf1)  }
0x216: {  	v20 =	vld [tilespmem:$0x10120];
	_ =	swait.ge [sflag:s16], $0x8000  }
0x217: {  	[sflag:s16] =	ssyncset.done $0x0  }
0x218: {  	s28 =	simm.s32 $0x0;
	[sflag:s16] =	ssyncadd.s32 $0xFFFF8000  }
0x219: {  	v25 =	vld [tilespmem:s28+$0x8030]  }
0x21a: {  	v26 =	vld [tilespmem:s28+$0x8010]  }
0x21b: {  	v27 =	vld [tilespmem:s28+$0x8020];
	_ =	sdelay $0x2  }
0x21c: {  	v28 =	vld [tilespmem:s28+$0x8000];
	(xrf1) =	vsort.ascd.msk.f32 $0xffff, v25, v25  }
0x21d: {  	(xrf1) =	vsort.ascd.msk.f32 $0xffff, v26, v26  }
0x21e: {  	(xrf1) =	vsort.ascd.msk.f32 $0xffff, v27, v27;
	_ =	sdelay $0x2  }
0x21f: {  	(xrf1) =	vsort.ascd.msk.f32 $0xffff, v28, v28;
	_ =	sdelay $0x5  }
0x220: {  	s29 =	simm.s32 $0x40  }
0x221: {  	v25 =	vld [tilespmem:s29+$0x8030];
	_ =	sdelay $0x1  }
0x222: {  	v27 =	vld [tilespmem:s29+$0x8010];
	v26, _, _ =	vpop (xrf1)  }
0x223: {  	v28, _, _ =	vpop (xrf1);
	v26 =	vperm.xlane v26, v0  }
0x224: {  	v29, _, _ =	vpop (xrf1)  }
0x225: {  	(xrf1) =	vsort.ascd.msk.f32 $0xffff, v25, v25;
	v25 =	vmax.f32 v29, v26  }
0x226: {  	v30 =	vld [tilespmem:s29+$0x8020];
	v28 =	vperm.xlane v28, v0;
	(xrf1) =	vsort.dscd.msk.f32 $0xffff, v25, v25  }
0x227: {  	v25 =	vmin.f32 v29, v26;
	v26, _, _ =	vpop (xrf1);
	(xrf1) =	vsort.ascd.msk.f32 $0xffff, v27, v27  }
0x228: {  	v27 =	vmax.f32 v26, v28;
	(xrf1) =	vsort.dscd.msk.f32 $0xffff, v25, v25  }
0x229: {  	v26 =	vmin.f32 v26, v28;
	(xrf1) =	vsort.dscd.msk.f32 $0xffff, v27, v27  }
0x22a: {  	v25 =	vld [tilespmem:s29+$0x8000];
	(xrf1) =	vsort.dscd.msk.f32 $0xffff, v26, v26  }
0x22b: {  	(xrf1) =	vsort.ascd.msk.f32 $0xffff, v30, v30;
	_ =	sdelay $0x3  }
0x22c: {  	(xrf1) =	vsort.ascd.msk.f32 $0xffff, v25, v25;
	_ =	sdelay $0x3  }
0x22d: {  	v25, _, _ =	vpop (xrf1)  }
0x22e: {  	s30 =	simm.s32 $0x80;
	v26, _, _ =	vpop (xrf1)  }
0x22f: {  	v27 =	vld [tilespmem:s30+$0x8030];
	v28, _, _ =	vpop (xrf1)  }
0x230: {  	v29, _, _ =	vpop (xrf1)  }
0x231: {  	v31, _, _ =	vpop (xrf1)  }
0x232: {  	v46 =	vld [tilespmem:s30+$0x8010];
	v25 =	vperm.xlane v25, v0;
	v32, _, _ =	vpop (xrf1)  }
0x233: {  	v33, _, _ =	vpop (xrf1)  }
0x234: {  	(xrf1) =	vsort.ascd.msk.f32 $0xffff, v27, v27;
	v27 =	vmax.f32 v33, v25;
	_ =	sdelay $0x1  }
0x235: {  	v34 =	vld [tilespmem:s30+$0x8020];
	v28 =	vperm.xlane v28, v0;
	(xrf1) =	vsort.dscd.msk.f32 $0xffff, v27, v27  }
0x236: {  	v25 =	vmin.f32 v33, v25;
	(xrf1) =	vsort.ascd.msk.f32 $0xffff, v46, v46;
	v27, _, _ =	vpop (xrf1)  }
0x237: {  	v47 =	vld [tilespmem:s30+$0x8000];
	(xrf1) =	vsort.dscd.msk.f32 $0xffff, v25, v25;
	v48 =	vmax.f32 v27, v28  }
0x238: {  	v25 =	vmin.f32 v27, v28;
	(xrf1) =	vsort.dscd.msk.f32 $0xffff, v48, v48  }
0x239: {  	(xrf1) =	vsort.dscd.msk.f32 $0xffff, v25, v25;
	v25 =	vperm.xlane v26, v0;
	v26 =	vperm.xlane v29, v0  }
0x23a: {  	(xrf1) =	vsort.ascd.msk.f32 $0xffff, v34, v34  }
0x23b: {  	v27 =	vmin.f32 v32, v25;
	v28 =	vmin.f32 v31, v26  }
0x23c: {  	(xrf1) =	vsort.ascd.msk.f32 $0xffff, v47, v47;
	v25 =	vmax.f32 v32, v25;
	v29 =	vmin.f32 v28, v27  }
0x23d: {  	v26 =	vmax.f32 v31, v26;
	v27 =	vmax.f32 v28, v27;
	(xrf1) =	vsort.dscd.msk.f32 $0xffff, v29, v29  }
0x23e: {  	v28 =	vmax.f32 v26, v25;
	(xrf1) =	vsort.dscd.msk.f32 $0xffff, v27, v27  }
0x23f: {  	v25 =	vmin.f32 v26, v25;
	(xrf1) =	vsort.dscd.msk.f32 $0xffff, v28, v28  }
0x240: {  	(xrf1) =	vsort.dscd.msk.f32 $0xffff, v25, v25;
	_ =	sdelay $0x1  }
0x241: {  	s31 =	simm.s32 $0xC0;
	v25, _, _ =	vpop (xrf1)  }
0x242: {  	v27 =	vld [tilespmem:s31+$0x8030];
	v26, _, _ =	vpop (xrf1)  }
0x243: {  	v28, _, _ =	vpop (xrf1)  }
0x244: {  	v29, _, _ =	vpop (xrf1)  }
0x245: {  	v49 =	vld [tilespmem:s31+$0x8010];
	v50, _, _ =	vpop (xrf1)  }
0x246: {  	v25 =	vperm.xlane v25, v0;
	v29 =	vperm.xlane v29, v0;
	v51, _, _ =	vpop (xrf1)  }
0x247: {  	v26 =	vperm.xlane v26, v0;
	(xrf1) =	vsort.ascd.msk.f32 $0xffff, v27, v27;
	v52, _, _ =	vpop (xrf1)  }
0x248: {  	v28 =	vperm.xlane v28, v0;
	v58 =	vmin.f32 v50, v29;
	v27 =	vmax.f32 v52, v25  }
0x249: {  	v53 =	vld [tilespmem:s31+$0x8020];
	v29 =	vmax.f32 v50, v29;
	v35 =	vmin.f32 v51, v26;
	v36, _, _ =	vpop (xrf1);
	(xrf1) =	vsort.dscd.msk.f32 $0xffff, v27, v27  }
0x24a: {  	v26 =	vmax.f32 v51, v26;
	v25 =	vmin.f32 v52, v25;
	v27 =	vld [tilespmem:s31+$0x8000];
	(xrf1) =	vsort.ascd.msk.f32 $0xffff, v49, v49;
	v55, _, _ =	vpop (xrf1)  }
0x24b: {  	v33 =	vmin.f32 v58, v35;
	v54 =	vmax.f32 v36, v28;
	(xrf1) =	vsort.dscd.msk.f32 $0xffff, v25, v25;
	v56, _, _ =	vpop (xrf1)  }
0x24c: {  	v61 =	vmax.f32 v29, v26;
	v28 =	vmin.f32 v36, v28;
	(xrf1) =	vsort.dscd.msk.f32 $0xffff, v54, v54;
	v57, _, _ =	vpop (xrf1)  }
0x24d: {  	v26 =	vmin.f32 v29, v26;
	v25 =	vperm.xlane v55, v0;
	(xrf1) =	vsort.dscd.msk.f32 $0xffff, v28, v28;
	v59, _, _ =	vpop (xrf1)  }
0x24e: {  	v30 =	vperm.xlane v56, v0;
	(xrf1) =	vsort.ascd.msk.f32 $0xffff, v53, v53;
	v60 =	vperm.xlane v59, v0  }
0x24f: {  	v28 =	vmax.f32 v58, v35;
	v32 =	vperm.xlane v57, v0;
	(xrf1) =	vsort.ascd.msk.f32 $0xffff, v27, v27;
	v27 =	vimm.f32 $-Inf  }
0x250: {  	(xrf1) =	vsort.dscd.msk.f32 $0xffff, v33, v33;
	v29 =	vmax.f32 v27, v60;
	v25 =	vmax.f32 v27, v25  }
0x251: {  	(xrf1) =	vsort.dscd.msk.f32 $0xffff, v28, v28;
	v28 =	vmax.f32 v27, v30;
	v27 =	vmax.f32 v27, v32  }
0x252: {  	v62 =	vmax.f32 v25, v29;
	v63 =	vmax.f32 v28, v27  }
0x253: {  	v29 =	vmin.f32 v25, v29;
	(xrf1) =	vsort.dscd.msk.f32 $0xffff, v61, v61;
	v25 =	vmin.f32 v62, v63  }
0x254: {  	(xrf1) =	vsort.dscd.msk.f32 $0xffff, v26, v26  }
0x255: {  	v30 =	vmax.f32 v62, v63;
	v26 =	vmin.f32 v28, v27;
	(xrf1) =	vsort.dscd.msk.f32 $0xffff, v25, v25  }
0x256: {  	s20 =	simm.s32 $0x400;
	s19 =	simm.s32 $0x500;
	v27 =	vmax.f32 v29, v26;
	v26 =	vmin.f32 v29, v26;
	(xrf1) =	vsort.dscd.msk.f32 $0xffff, v30, v30;
	v25, _, _ =	vpop (xrf1)  }
.LBB2_8:
0x257: {  	p0 =	sne.s32 s19, $0x1FF00  }
0x258: {  	s21 =	sshra.s32 s20, $0x2;
	v28, _, _ =	vpop (xrf1);
	(xrf1) =	vsort.dscd.msk.f32 $0xffff, v27, v27;
	s20 =	smov.u32 s19;
	s19 =	sadd.s32 $0x100, s19  }
0x259: {  	v27 =	vld [tilespmem:s21+$0x8030];
	v29, _, _ =	vpop (xrf1);
	v28 =	vperm.xlane v28, v0;
	(xrf1) =	vsort.dscd.msk.f32 $0xffff, v26, v26  }
0x25a: {  	v26 =	vld [tilespmem:s21+$0x8020];
	v30, _, _ =	vpop (xrf1)  }
0x25b: {  	v31 =	vld [tilespmem:s21+$0x8010];
	v32, _, _ =	vpop (xrf1)  }
0x25c: {  	v25 =	vperm.xlane v25, v0;
	v33 =	vld [tilespmem:s21+$0x8000];
	v34, _, _ =	vpop (xrf1)  }
0x25d: {  	v29 =	vperm.xlane v29, v0;
	v35, _, _ =	vpop (xrf1);
	v36 =	vmin.f32 v34, v28  }
0x25e: {  	(xrf1) =	vsort.ascd.msk.f32 $0xffff, v27, v27;
	v38 =	vmax.f32 v35, v25;
	v25 =	vmin.f32 v35, v25;
	v35, _, _ =	vpop (xrf1)  }
0x25f: {  	v37 =	vmax.f32 v35, v29;
	v29 =	vmin.f32 v35, v29;
	(xrf1) =	vsort.dscd.msk.f32 $0xffff, v38, v38;
	v27, _, _ =	vpop (xrf1)  }
0x260: {  	v30 =	vperm.xlane v30, v0;
	(xrf1) =	vsort.ascd.msk.f32 $0xffff, v31, v31;
	v27 =	vperm.xlane v27, v0;
	v31, _, _ =	vpop (xrf1)  }
0x261: {  	(xrf1) =	vsort.dscd.msk.f32 $0xffff, v25, v25;
	v25 =	vmax.f32 v34, v28;
	v28, _, _ =	vpop (xrf1)  }
0x262: {  	v34 =	vmin.f32 v32, v30;
	v31 =	vperm.xlane v31, v0;
	(xrf1) =	vsort.dscd.msk.f32 $0xffff, v37, v37  }
0x263: {  	(xrf1) =	vsort.dscd.msk.f32 $0xffff, v29, v29;
	v29 =	vmax.f32 v34, v36;
	v34 =	vmin.f32 v34, v36;
	v35, _, _ =	vpop (xrf1)  }
0x264: {  	(xrf1) =	vsort.ascd.msk.f32 $0xffff, v26, v26;
	v26 =	vmax.f32 v32, v30;
	v36 =	vperm.xlane v35, v0;
	v32, _, _ =	vpop (xrf1)  }
0x265: {  	(xrf1) =	vsort.ascd.msk.f32 $0xffff, v33, v33;
	v33 =	vmax.f32 v26, v25;
	v35, _, _ =	vpop (xrf1)  }
0x266: {  	v25 =	vmin.f32 v26, v25;
	v26 =	vperm.xlane v28, v0;
	(xrf1) =	vsort.dscd.msk.f32 $0xffff, v34, v34;
	v28, _, _ =	vpop (xrf1)  }
0x267: {  	(xrf1) =	vsort.dscd.msk.f32 $0xffff, v29, v29;
	v29 =	vmax.f32 v32, v31;
	v28 =	vmax.f32 v28, v36;
	v30, _, _ =	vpop (xrf1)  }
.Ltmp3:
0x268: {  	v27 =	vmax.f32 v35, v27;
	(xrf1) =	vsort.dscd.msk.f32 $0xffff, v33, v33;
	v26 =	vmax.f32 v30, v26;
	(pc) =	sbr.rel @p0 .LBB2_8-.Ltmp3, $4  }
0x269: {  	v30 =	vmax.f32 v27, v28;
	v28 =	vmin.f32 v27, v28;
	v27 =	vmax.f32 v29, v26  }
0x26a: {  	(xrf1) =	vsort.dscd.msk.f32 $0xffff, v25, v25;
	v31 =	vmax.f32 v30, v27;
	v27 =	vmin.f32 v30, v27  }
0x26b: {  	v26 =	vmin.f32 v29, v26;
	(xrf1) =	vsort.dscd.msk.f32 $0xffff, v27, v27  }
0x26c: {  	v27 =	vmax.f32 v28, v26;
	v26 =	vmin.f32 v28, v26;
	v25, _, _ =	vpop (xrf1);
	(xrf1) =	vsort.dscd.msk.f32 $0xffff, v31, v31  }
0x26d: {  	v28, _, _ =	vpop (xrf1);
	(xrf1) =	vsort.dscd.msk.f32 $0xffff, v27, v27  }
0x26e: {  	s19 =	sshra.s32 s20, $0x2;
	(xrf1) =	vsort.dscd.msk.f32 $0xffff, v26, v26  }
0x26f: {  	v50 =	vld [tilespmem:s19+$0x8030];
	v29, _, _ =	vpop (xrf1)  }
0x270: {  	v51, _, _ =	vpop (xrf1)  }
0x271: {  	v30 =	vld [tilespmem:s19+$0x8010];
	v31, _, _ =	vpop (xrf1)  }
0x272: {  	v25 =	vperm.xlane v25, v0;
	v28 =	vperm.xlane v28, v0;
	v32, _, _ =	vpop (xrf1)  }
0x273: {  	v29 =	vperm.xlane v29, v0;
	v26 =	vperm.xlane v51, v0;
	v33, _, _ =	vpop (xrf1)  }
0x274: {  	v35 =	vmin.f32 v32, v28;
	(xrf1) =	vsort.ascd.msk.f32 $0xffff, v50, v50;
	v52 =	vmax.f32 v33, v25;
	v36, _, _ =	vpop (xrf1)  }
0x275: {  	v34 =	vld [tilespmem:s19+$0x8020];
	v28 =	vmax.f32 v32, v28;
	v58 =	vmin.f32 v31, v26;
	(xrf1) =	vsort.dscd.msk.f32 $0xffff, v52, v52;
	v37, _, _ =	vpop (xrf1)  }
0x276: {  	v53 =	vld [tilespmem:s19+$0x8000];
	v26 =	vmax.f32 v31, v26;
	v25 =	vmin.f32 v33, v25;
	(xrf1) =	vsort.ascd.msk.f32 $0xffff, v30, v30;
	v55, _, _ =	vpop (xrf1)  }
0x277: {  	v60 =	vmax.f32 v58, v35;
	v54 =	vmax.f32 v36, v29;
	(xrf1) =	vsort.dscd.msk.f32 $0xffff, v25, v25;
	v57, _, _ =	vpop (xrf1)  }
0x278: {  	v33 =	vmin.f32 v58, v35;
	v29 =	vmin.f32 v36, v29;
	(xrf1) =	vsort.dscd.msk.f32 $0xffff, v54, v54;
	v59, _, _ =	vpop (xrf1)  }
0x279: {  	v31 =	vmax.f32 v26, v28;
	v26 =	vmin.f32 v26, v28;
	(xrf1) =	vsort.dscd.msk.f32 $0xffff, v29, v29;
	v61, _, _ =	vpop (xrf1)  }
0x27a: {  	v56 =	vperm.xlane v37, v0;
	v30 =	vperm.xlane v55, v0;
	(xrf1) =	vsort.ascd.msk.f32 $0xffff, v34, v34;
	v62, _, _ =	vpop (xrf1)  }
0x27b: {  	v32 =	vperm.xlane v57, v0;
	v29 =	vperm.xlane v59, v0;
	(xrf1) =	vsort.ascd.msk.f32 $0xffff, v53, v53;
	v63, _, _ =	vpop (xrf1)  }
0x27c: {  	v34 =	vmax.f32 v61, v30;
	(xrf1) =	vsort.dscd.msk.f32 $0xffff, v33, v33;
	v25 =	vmax.f32 v62, v56;
	v35, _, _ =	vpop (xrf1)  }
0x27d: {  	(xrf1) =	vsort.dscd.msk.f32 $0xffff, v60, v60;
	v29 =	vmax.f32 v63, v29;
	v36 =	vmax.f32 v35, v32  }
0x27e: {  	(xrf1) =	vsort.dscd.msk.f32 $0xffff, v31, v31;
	v37 =	vmax.f32 v25, v29;
	v38 =	vmax.f32 v34, v36  }
0x27f: {  	v25 =	vmin.f32 v25, v29;
	(xrf1) =	vsort.dscd.msk.f32 $0xffff, v26, v26;
	v39 =	vmin.f32 v37, v38  }
0x280: {  	v27 =	vmin.f32 v34, v36;
	v40 =	vmax.f32 v37, v38;
	(xrf1) =	vsort.dscd.msk.f32 $0xffff, v39, v39  }
0x281: {  	v41 =	vmax.f32 v25, v27;
	(xrf1) =	vsort.dscd.msk.f32 $0xffff, v40, v40  }
0x282: {  	v25 =	vmin.f32 v25, v27;
	v42, _, _ =	vpop (xrf1);
	(xrf1) =	vsort.dscd.msk.f32 $0xffff, v41, v41  }
0x283: {  	v43, _, _ =	vpop (xrf1);
	(xrf1) =	vsort.dscd.msk.f32 $0xffff, v25, v25  }
0x284: {  	v44, _, _ =	vpop (xrf1)  }
0x285: {  	v45, _, _ =	vpop (xrf1)  }
0x286: {  	v46, _, _ =	vpop (xrf1)  }
0x287: {  	v47, _, _ =	vpop (xrf1)  }
0x288: {  	v26 =	vperm.xlane v43, v0;
	v48, _, _ =	vpop (xrf1)  }
0x289: {  	v28 =	vperm.xlane v42, v0;
	v27 =	vperm.xlane v45, v0;
	v49, _, _ =	vpop (xrf1)  }
0x28a: {  	v25 =	vperm.xlane v44, v0;
	v50 =	vmin.f32 v47, v26;
	v26 =	vmax.f32 v47, v26;
	v52, _, _ =	vpop (xrf1)  }
0x28b: {  	v56 =	vmin.f32 v46, v27;
	v27 =	vmax.f32 v46, v27;
	v51 =	vmax.f32 v48, v28;
	v54, _, _ =	vpop (xrf1)  }
0x28c: {  	v28 =	vmin.f32 v48, v28;
	v58 =	vmax.f32 v56, v50;
	(xrf1) =	vsort.dscd.msk.f32 $0xffff, v51, v51;
	v55, _, _ =	vpop (xrf1)  }
0x28d: {  	v30 =	vmin.f32 v56, v50;
	v53 =	vmax.f32 v49, v25;
	(xrf1) =	vsort.dscd.msk.f32 $0xffff, v28, v28;
	v57, _, _ =	vpop (xrf1)  }
0x28e: {  	v62 =	vmax.f32 v27, v26;
	v25 =	vmin.f32 v49, v25;
	(xrf1) =	vsort.dscd.msk.f32 $0xffff, v53, v53;
	v59, _, _ =	vpop (xrf1)  }
0x28f: {  	v31 =	vperm.xlane v52, v0;
	v34 =	vperm.xlane v54, v0;
	(xrf1) =	vsort.dscd.msk.f32 $0xffff, v25, v25;
	v61, _, _ =	vpop (xrf1)  }
0x290: {  	v28 =	vperm.xlane v55, v0;
	v60 =	vperm.xlane v57, v0;
	(xrf1) =	vsort.dscd.msk.f32 $0xffff, v30, v30;
	v63, _, _ =	vpop (xrf1)  }
0x291: {  	v26 =	vmin.f32 v27, v26;
	v35 =	vmax.f32 v59, v34;
	(xrf1) =	vsort.dscd.msk.f32 $0xffff, v58, v58;
	v36, _, _ =	vpop (xrf1)  }
0x292: {  	v37 =	vmax.f32 v61, v31;
	v29 =	vmax.f32 v63, v60;
	v27 =	vmax.f32 v36, v28  }
0x293: {  	(xrf1) =	vsort.dscd.msk.f32 $0xffff, v62, v62;
	v38 =	vmax.f32 v37, v29;
	v39 =	vmax.f32 v35, v27  }
0x294: {  	v29 =	vmin.f32 v37, v29;
	(xrf1) =	vsort.dscd.msk.f32 $0xffff, v26, v26;
	v40 =	vmin.f32 v38, v39  }
0x295: {  	v25 =	vmin.f32 v35, v27;
	v28 =	vmax.f32 v38, v39;
	(xrf1) =	vsort.dscd.msk.f32 $0xffff, v40, v40  }
0x296: {  	v41 =	vmax.f32 v29, v25;
	(xrf1) =	vsort.dscd.msk.f32 $0xffff, v28, v28  }
0x297: {  	v25 =	vmin.f32 v29, v25;
	(xrf1) =	vsort.dscd.msk.f32 $0xffff, v41, v41  }
0x298: {  	(xrf1) =	vsort.dscd.msk.f32 $0xffff, v25, v25;
	_ =	sdelay $0x2  }
0x299: {  	v42, _, _ =	vpop (xrf1)  }
0x29a: {  	v43, _, _ =	vpop (xrf1)  }
0x29b: {  	v44, _, _ =	vpop (xrf1)  }
0x29c: {  	v45, _, _ =	vpop (xrf1)  }
0x29d: {  	v46, _, _ =	vpop (xrf1)  }
0x29e: {  	v25 =	vperm.xlane v42, v0;
	v26 =	vperm.xlane v43, v0;
	v47, _, _ =	vpop (xrf1)  }
0x29f: {  	v48, _, _ =	vpop (xrf1)  }
0x2a0: {  	v49 =	vmin.f32 v45, v25;
	v50 =	vmin.f32 v44, v26;
	v25 =	vmax.f32 v45, v25;
	v51, _, _ =	vpop (xrf1)  }
0x2a1: {  	v26 =	vmax.f32 v44, v26;
	v29 =	vperm.xlane v46, v0;
	v53 =	vmax.f32 v50, v49;
	v54, _, _ =	vpop (xrf1)  }
0x2a2: {  	v32 =	vmin.f32 v50, v49;
	v57 =	vmax.f32 v26, v25;
	v52 =	vperm.xlane v47, v0;
	v56, _, _ =	vpop (xrf1)  }
0x2a3: {  	(xrf1) =	vsort.dscd.msk.f32 $0xffff, v32, v32;
	v31 =	vperm.xlane v48, v0;
	v55 =	vperm.xlane v51, v0;
	v58, _, _ =	vpop (xrf1)  }
0x2a4: {  	v25 =	vmin.f32 v26, v25;
	(xrf1) =	vsort.dscd.msk.f32 $0xffff, v53, v53;
	v59 =	vmax.f32 v54, v52;
	v60, _, _ =	vpop (xrf1)  }
0x2a5: {  	v29 =	vmax.f32 v56, v29;
	v27 =	vmax.f32 v58, v55;
	v28 =	vmax.f32 v60, v31  }
0x2a6: {  	(xrf1) =	vsort.dscd.msk.f32 $0xffff, v57, v57;
	v61 =	vmax.f32 v29, v27;
	v31 =	vmax.f32 v59, v28  }
0x2a7: {  	(xrf1) =	vsort.dscd.msk.f32 $0xffff, v25, v25;
	v27 =	vmin.f32 v29, v27;
	v62 =	vmin.f32 v61, v31  }
0x2a8: {  	v26 =	vmin.f32 v59, v28;
	v63 =	vmax.f32 v61, v31;
	(xrf1) =	vsort.dscd.msk.f32 $0xffff, v62, v62  }
0x2a9: {  	v32 =	vmax.f32 v27, v26;
	(xrf1) =	vsort.dscd.msk.f32 $0xffff, v63, v63  }
0x2aa: {  	v26 =	vmin.f32 v27, v26;
	(xrf1) =	vsort.dscd.msk.f32 $0xffff, v32, v32  }
0x2ab: {  	(xrf1) =	vsort.dscd.msk.f32 $0xffff, v26, v26;
	_ =	sdelay $0x6  }
0x2ac: {  	v33, _, _ =	vpop (xrf1)  }
0x2ad: {  	v34, _, _ =	vpop (xrf1)  }
0x2ae: {  	v35, _, _ =	vpop (xrf1)  }
0x2af: {  	v36, _, _ =	vpop (xrf1)  }
0x2b0: {  	v37, _, _ =	vpop (xrf1)  }
0x2b1: {  	v25 =	vperm.xlane v33, v0;
	v26 =	vperm.xlane v34, v0;
	v38, _, _ =	vpop (xrf1)  }
0x2b2: {  	v27 =	vperm.xlane v35, v0;
	v28 =	vperm.xlane v36, v0;
	v39, _, _ =	vpop (xrf1)  }
0x2b3: {  	v26 =	vmax.f32 v37, v26;
	v40, _, _ =	vpop (xrf1)  }
0x2b4: {  	v25 =	vmax.f32 v38, v25;
	v28 =	vmax.f32 v39, v28;
	v27 =	vmax.f32 v40, v27  }
0x2b5: {  	v41 =	vmax.f32 v25, v28;
	v42 =	vmax.f32 v26, v27  }
0x2b6: {  	v43 =	vmin.f32 v41, v42  }
0x2b7: {  	v29 =	vmax.f32 v41, v42;
	(xrf1) =	vsort.dscd.msk.f32 $0xffff, v43, v43  }
0x2b8: {  	v25 =	vmin.f32 v25, v28;
	v26 =	vmin.f32 v26, v27;
	(xrf1) =	vsort.dscd.msk.f32 $0xffff, v29, v29  }
0x2b9: {  	v27 =	vmax.f32 v25, v26  }
0x2ba: {  	(xrf1) =	vsort.dscd.msk.f32 $0xffff, v27, v27  }
0x2bb: {  	v25 =	vmin.f32 v25, v26  }
0x2bc: {  	(xrf1) =	vsort.dscd.msk.f32 $0xffff, v25, v25;
	_ =	sdelay $0x4  }
0x2bd: {  	v44 =	vld [tilespmem:$0x10180]  }
0x2be: {  	v4 =	vmul.f32 v4, v8;
	v3 =	vmul.f32 v5, v3;
	v45 =	vld [tilespmem:$0x10190]  }
0x2bf: {  	v1 =	vmul.f32 v2, v1;
	v2 =	vmul.f32 v12, v11  }
0x2c0: {  	v9 =	vmul.f32 v10, v9;
	v46 =	vmul.f32 v7, v6;
	v49 =	vld [tilespmem:$0x101A0]  }
0x2c1: {  	v47 =	vmul.f32 v14, v16;
	v48 =	vmul.f32 v15, v13;
	v50, _, _ =	vpop (xrf1)  }
0x2c2: {  	v3 =	vadd.f32 v3, v4;
	v53 =	vmul.f32 v23, v21;
	v52 =	vmul.f32 v22, v24;
	v54 =	vld [tilespmem:$0x101B0];
	v51, _, _ =	vpop (xrf1)  }
0x2c3: {  	v6 =	vadd.f32 v48, v47;
	v55 =	vmul.f32 v45, v50;
	v4 =	vmul.f32 v44, v51  }
0x2c4: {  	v3 =	vadd.f32 v46, v3;
	v57 =	vadd.f32 v53, v52;
	v58 =	vmul.f32 v20, v19;
	v56, _, _ =	vpop (xrf1)  }
0x2c5: {  	v2 =	vadd.f32 v2, v6;
	v59 =	vmul.f32 v49, v56;
	v4 =	vadd.f32 v55, v4  }
0x2c6: {  	v1 =	vadd.f32 v1, v3;
	v3 =	vadd.f32 v58, v57;
	v61 =	vmul.f32 v18, v17;
	v60, _, _ =	vpop (xrf1)  }
0x2c7: {  	v2 =	vadd.f32 v9, v2;
	v62 =	vmul.f32 v54, v60;
	v4 =	vadd.f32 v59, v4  }
0x2c8: {  	(xrf2) =	vadd.scan.msk.f32 $0xffff, v1;
	v1 =	vadd.f32 v61, v3  }
0x2c9: {  	(xrf2) =	vadd.scan.msk.f32 $0xffff, v2;
	v2 =	vadd.f32 v62, v4  }
0x2ca: {  	(xrf2) =	vadd.scan.msk.f32 $0xffff, v1  }
0x2cb: {  	(xrf2) =	vadd.scan.msk.f32 $0xffff, v2;
	_ =	sdelay $0x6  }
0x2cc: {  	v1, _, _ =	vpop (xrf2)  }
0x2cd: {  	v1 =	vbroadcast v1, $0xF;
	v2, _, _ =	vpop (xrf2)  }
0x2ce: {  	v3, _, _ =	vpop (xrf2);
	v2 =	vbroadcast v2, $0xF  }
0x2cf: {  	v1 =	vnsel vm3, $0x0, v1;
	v3 =	vbroadcast v3, $0xF;
	v63, _, _ =	vpop (xrf2)  }
0x2d0: {  	v1 =	vsel vm0, v1, v2;
	v2 =	vbroadcast v63, $0xF  }
0x2d1: {  	s18 =	sadd.s32 $0x1, s18;
	v1 =	vsel vm1, v1, v3  }
0x2d2: {  	p0 =	sne.s32 s18, s9;
	v1 =	vsel vm2, v1, v2  }
.Ltmp4:
0x2d3: {  	[tilespmem:$0x10200] =	vst v1;
	(pc) =	sbr.rel @p0 .LBB2_1-.Ltmp4, $4  }
0x2d4: {  	[hbm4b:s8+s2] =	stream.linear.scatter [tilespmem:s17], [sflag:$0x3], $0x80, $0x38;
	[tilespmem:$0x10280] =	vst v63  }
0x2d5: {  	_ =	swait.ge [sflag:s11], $0x80  }
0x2d6: {  	[sflag:s11] =	ssyncset.done $0x0  }
0x2d7: {  	[sflag:s11] =	ssyncadd.s32 $0xFFFFFF80  }
0x2d8: {  	_ =	sfence.sel $0x180000  }
0x2d9: {  	[bflag:$0x0] =	sbarrier.arrive $0xFFFF  }
0x2da: {  	p0 =	sne.s32 s1, $0x0;
	_ =	strace $0x90000047  }
0x2db: {  	s0 =	sadd.s32 @!p0 $0x100000, s0;
	[bflag:$0x2] =	sbarrier.arrive $0xFFFF  }
0x2dc: {  	[sflag:s0] =	ssyncadd.tile.s32 @!p0 $0x1;
	_ =	shalt  }
.Lfunc_end2:
_tile_overlayer_lowered:
.L_overlay_start_2:
0x2dd: {  	(tag) =	ssettag $0x2  }
0x2de: {  	s0 =	rddreg [dreg:$0x0];
	s2 =	stileid.u32  }
0x2df: {  	s1 =	rddreg [dreg:$0x1];
	p0 =	sne.s32 s2, $0x0  }
0x2e0: {  	s3 =	rddreg [dreg:$0x2];
	[bflag:$0x3] =	sbarrier.arrive $0xFFFF;
	s2 =	simm.s32 @!p0 $0x1C03  }
0x2e1: {  	[timem:s3], [sflag:s2] =	dma.local @!p0 [hbm:s0], s1  }
0x2e2: {  	s0 =	simm.s32 @!p0 $0x3  }
0x2e3: {  	_ =	swait.ge @!p0 [sflag:s0], s1  }
0x2e4: {  	s1 =	ssub.s32 @!p0 $0x0, s1;
	[sflag:s0] =	ssyncset.done @!p0 $0x0  }
0x2e5: {  	[sflag:s0] =	ssyncadd.s32 @!p0 s1  }
0x2e6: {  	[bflag:$0x3] =	sbarrier.arrive $0xFFFF  }
0x2e7: {  	_ =	shalt  }

</sc_bundles>
